<compile_context>
chip_gen: v7x
topology: tpu7x:2x2x1
jax: 0.10.2.dev20260603
libtpu: 0.0.44.dev20260713+nightly
codegen_flags: <defaults>
</compile_context>

<pallas_src>
import functools

import jax
import jax.numpy as jnp
from jax import lax
from jax.experimental import pallas as pl
from jax.experimental.pallas import tpu as pltpu
from jax.experimental.pallas import tpu_sc as plsc

D = 4
H = 128
OUT = 16
PACK = 32
LN_EPS = 1e-5

NC = 2
NS = 16
NW = NC * NS
CHUNK = 80


def _pack_body(blk, x_ref, w_ref, ls_ref, o_ref):
    xr = x_ref[...].reshape(blk, D, H)
    xm = (xr[:, 0, :] + xr[:, 1, :] + xr[:, 2, :] + xr[:, 3, :]) * 0.25
    wp = w_ref[...] * ls_ref[...]
    px = jnp.dot(xm, wp, preferred_element_type=jnp.float32)
    sx = jnp.sum(xm, axis=1, keepdims=True)
    qx = jnp.sum(xm * xm, axis=1, keepdims=True)
    pad = jnp.zeros((blk, PACK - OUT - 2), jnp.float32)
    o_ref[...] = jnp.concatenate([px, sx, qx, pad], axis=1)


def _pack_table(x2d, w_half, ls_half, blk):
    n = x2d.shape[0] // D
    return pl.pallas_call(
        functools.partial(_pack_body, blk),
        grid=(n // blk,),
        in_specs=[
            pl.BlockSpec((blk * D, H), lambda i: (i, 0)),
            pl.BlockSpec((H, OUT), lambda i: (0, 0)),
            pl.BlockSpec((H, 1), lambda i: (0, 0)),
        ],
        out_specs=pl.BlockSpec((blk, PACK), lambda i: (i, 0)),
        out_shape=jax.ShapeDtypeStruct((n, PACK), jnp.float32),
    )(x2d, w_half, ls_half)


def _consts_body(w_ref, ls_ref, lb_ref, b_ref, c_ref):
    w = w_ref[...]
    cw = jnp.dot(ls_ref[...], w, preferred_element_type=jnp.float32)
    cb = jnp.dot(lb_ref[...], w, preferred_element_type=jnp.float32) + b_ref[...]
    c_ref[...] = jnp.concatenate([cw, cb], axis=0)


def _make_consts(W, ln_scale, ln_bias, b):
    return pl.pallas_call(
        _consts_body,
        out_shape=jax.ShapeDtypeStruct((2, OUT), jnp.float32),
    )(W, ln_scale.reshape(1, 2 * H), ln_bias.reshape(1, 2 * H), b.reshape(1, OUT))


def _sc_sheaf(tabx, tabe, hi, consts, n_inc):
    per_w = n_inc // NW
    n_chunk = per_w // CHUNK
    mesh = plsc.VectorSubcoreMesh(core_axis_name="c", subcore_axis_name="s")

    @functools.partial(
        pl.kernel,
        mesh=mesh,
        out_type=jax.ShapeDtypeStruct((OUT, n_inc), jnp.float32),
        compiler_params=pltpu.CompilerParams(
            use_tc_tiling_on_sc=False, needs_layout_passes=False),
        scratch_types=[
            pltpu.VMEM((per_w,), jnp.int32),
            pltpu.VMEM((per_w,), jnp.int32),
            pltpu.VMEM((CHUNK, PACK), jnp.float32),
            pltpu.VMEM((CHUNK, PACK), jnp.float32),
            pltpu.VMEM((CHUNK, PACK), jnp.float32),
            pltpu.VMEM((CHUNK, PACK), jnp.float32),
            pltpu.VMEM((OUT, CHUNK), jnp.float32),
            pltpu.VMEM((OUT, CHUNK), jnp.float32),
            pltpu.VMEM((2, OUT), jnp.float32),
            pltpu.SemaphoreType.DMA,
            pltpu.SemaphoreType.DMA,
            pltpu.SemaphoreType.DMA,
            pltpu.SemaphoreType.DMA,
        ],
    )
    def k(tabx_hbm, tabe_hbm, hi_hbm, c_hbm, out_hbm,
          rows_v, cols_v, bxa_v, bea_v, bxb_v, beb_v, oba_v, obb_v,
          cc_v, sema, semb, semoa, semob):
        wid = lax.axis_index("s") * NC + lax.axis_index("c")
        base = wid * per_w
        pltpu.sync_copy(c_hbm, cc_v)
        pltpu.sync_copy(hi_hbm.at[0, pl.ds(base, per_w)], rows_v)
        pltpu.sync_copy(hi_hbm.at[1, pl.ds(base, per_w)], cols_v)
        cw = cc_v[0, :]
        cb = cc_v[1, :]

        def fire(ci, bx_v, be_v, sem):
            off = ci * CHUNK
            cpx = pltpu.async_copy(
                tabx_hbm.at[rows_v.at[pl.ds(off, CHUNK)]], bx_v, sem)
            cpe = pltpu.async_copy(
                tabe_hbm.at[cols_v.at[pl.ds(off, CHUNK)]], be_v, sem)
            return cpx, cpe

        lane0 = jnp.full((16,), 0, jnp.int32)
        lane1 = jnp.full((16,), 1, jnp.int32)
        iota16 = lax.iota(jnp.int32, 16)

        def drain_out(ob_v, semo):
            pltpu.make_async_copy(
                out_hbm.at[:, pl.ds(0, CHUNK)], ob_v, semo).wait()

        def compute(ci, bx_v, be_v, ob_v, semo):
            @pl.when(ci >= 2)
            def _():
                drain_out(ob_v, semo)

            @plsc.parallel_loop(0, CHUNK, unroll=8)
            def inc_body(j):
                st = bx_v[j, OUT:PACK] + be_v[j, OUT:PACK]
                s = st.at[lane0].get(mode="promise_in_bounds")
                q = st.at[lane1].get(mode="promise_in_bounds")
                mu = s * (1.0 / (2 * H))
                v = q * (1.0 / (2 * H)) - mu * mu + LN_EPS
                iv = plsc.bitcast(v, jnp.int32)
                iv = 0x5F3759DF - lax.shift_right_arithmetic(iv, 1)
                y = plsc.bitcast(iv, jnp.float32)
                hv = 0.5 * v
                y = y * (1.5 - hv * y * y)
                dv = bx_v[j, 0:OUT] + be_v[j, 0:OUT]
                t = (dv - mu * cw) * y + cb
                r = 1.0 / (1.0 + jnp.exp(-t))
                plsc.store_scatter(ob_v, [iota16, jnp.full((16,), j)], r)

            pltpu.async_copy(
                ob_v, out_hbm.at[:, pl.ds(base + ci * CHUNK, CHUNK)], semo)

        def drain(bx_v, be_v, sem):
            pltpu.make_async_copy(tabx_hbm.at[pl.ds(0, CHUNK)], bx_v, sem).wait()
            pltpu.make_async_copy(tabe_hbm.at[pl.ds(0, CHUNK)], be_v, sem).wait()

        fire(0, bxa_v, bea_v, sema)

        def pair_body(p, _):
            fire(2 * p + 1, bxb_v, beb_v, semb)
            drain(bxa_v, bea_v, sema)
            compute(2 * p, bxa_v, bea_v, oba_v, semoa)
            fire(2 * p + 2, bxa_v, bea_v, sema)
            drain(bxb_v, beb_v, semb)
            compute(2 * p + 1, bxb_v, beb_v, obb_v, semob)
            return 0

        lax.fori_loop(0, (n_chunk - 1) // 2, pair_body, 0)
        drain(bxa_v, bea_v, sema)
        compute(n_chunk - 1, bxa_v, bea_v, oba_v, semoa)
        drain_out(oba_v, semoa)
        drain_out(obb_v, semob)

    return k(tabx, tabe, hi, consts)


def kernel(x, e, hyperedge_index, node_types, hyperedge_types,
           ln_scale, ln_bias, W, b):
    n_nodes = x.shape[0] // D
    n_edges = e.shape[0] // D
    n_inc = hyperedge_index.shape[1]

    tabx = _pack_table(x, W[:H], ln_scale[:H, None], 2000)
    tabe = _pack_table(e, W[H:], ln_scale[H:, None], 1000)
    consts = _make_consts(W, ln_scale, ln_bias, b)

    hi = hyperedge_index.astype(jnp.int32)

    out_t = _sc_sheaf(tabx, tabe, hi, consts, n_inc)
    return jnp.swapaxes(out_t, 0, 1)

# --- scband reference (transcript-rebuilt; emitter-appended) ---
"""Pipeline reference for scband-sheaf-builder-74509092651428 (READ-ONLY COPY).

The authoritative reference and input builder live on the scoring server;
editing this copy changes nothing except your own understanding.
"""

import jax, jax.numpy as jnp
import numpy as np

D = 4            # stalk_dimension
HIDDEN = 128     # hidden_channels == MLP_hidden == node/he feature dim
OUT = 16         # sheaf_out_channels (d*d restriction-map entries)
N_NODES = 10000
N_HE = 5000
N_INC = 320000
LN_EPS = 1e-5


def setup_inputs(seed: int = 0) -> dict:
    key = jax.random.key(seed)
    ks = jax.random.split(key, 10)
    x = jax.random.normal(ks[0], (N_NODES * D, HIDDEN), dtype=jnp.float32)
    e = jax.random.normal(ks[1], (N_HE * D, HIDDEN), dtype=jnp.float32)
    row = jax.random.randint(ks[2], (N_INC,), 0, N_NODES)
    col = jax.random.randint(ks[3], (N_INC,), 0, N_HE)
    col = col.at[-1].set(N_HE - 1)  # ensure hyperedge_index[1].max()+1 == N_HE
    hyperedge_index = jnp.stack([row, col], axis=0)
    node_types = jax.random.randint(ks[4], (N_NODES,), 0, 3)
    hyperedge_types = jax.random.randint(ks[5], (N_HE,), 0, 6)
    # LocalConcatSheafLearner params: LayerNorm over concat(xs, es) then Linear(2*HIDDEN -> OUT)
    ln_scale = jnp.ones((2 * HIDDEN,), dtype=jnp.float32)
    ln_bias = jnp.zeros((2 * HIDDEN,), dtype=jnp.float32)
    W = jax.random.normal(ks[6], (2 * HIDDEN, OUT), dtype=jnp.float32) / np.sqrt(2 * HIDDEN)
    b = jnp.zeros((OUT,), dtype=jnp.float32)
    return {"x": x, "e": e, "hyperedge_index": hyperedge_index,
            "node_types": node_types, "hyperedge_types": hyperedge_types,
            "ln_scale": ln_scale, "ln_bias": ln_bias, "W": W, "b": b}


def reference(x, e, hyperedge_index, node_types, hyperedge_types, ln_scale, ln_bias, W, b):
    # forward of SheafBuilder with he_feat_type='var1' (InputFeatsHeFeatBuilder:
    # gather raw node/hyperedge feats per incidence) and
    # sheaf_pred_block='local_concat' (LocalConcatSheafLearner: LN -> Linear -> sigmoid).
    # compute_restriction_maps of the concrete diag/general subclass returns the
    # predicted h_sheaf entries per incidence (sheaf_dropout=False).
    num_nodes = x.shape[0] // D
    num_edges = e.shape[0] // D  # == hyperedge_index[1].max()+1 by construction
    xm = x.reshape(num_nodes, D, x.shape[-1]).mean(axis=1)
    em = e.reshape(num_edges, D, e.shape[-1]).mean(axis=1)
    row = hyperedge_index[0]
    col = hyperedge_index[1]
    xs = jnp.take(xm, row, axis=0)   # [N_INC, HIDDEN] gather
    es = jnp.take(em, col, axis=0)   # [N_INC, HIDDEN] gather
    h = jnp.concatenate([xs, es], axis=-1)  # [N_INC, 2*HIDDEN]
    mu = h.mean(axis=-1, keepdims=True)
    var = ((h - mu) ** 2).mean(axis=-1, keepdims=True)
    h = (h - mu) / jnp.sqrt(var + LN_EPS) * ln_scale + ln_bias
    h = h @ W + b
    h_sheaf = jax.nn.sigmoid(h)      # sheaf_act='sigmoid'
    return h_sheaf                   # [N_INC, OUT] restriction-map entries

if __name__ == "__main__":
    import jax
    _d = setup_inputs()
    print(jax.jit(kernel)(*tuple(_d.values())))

</pallas_src>

<mosaic_0001>
#map = affine_map<(d0, d1) -> (0, 0)>
module attributes {stable_mosaic.version = 14 : i64} {
  func.func @k(%arg0: i32, %arg1: i32, %arg2: memref<10000x32xf32, #tpu.memory_space<hbm>>, %arg3: memref<5000x32xf32, #tpu.memory_space<hbm>>, %arg4: memref<2x320000xi32, #tpu.memory_space<hbm>>, %arg5: memref<2x16xf32, #tpu.memory_space<hbm>>, %arg6: memref<16x320000xf32, #tpu.memory_space<hbm>>, %arg7: memref<10000xi32, #tpu.memory_space<vmem>>, %arg8: memref<10000xi32, #tpu.memory_space<vmem>>, %arg9: memref<80x32xf32, #tpu.memory_space<vmem>>, %arg10: memref<80x32xf32, #tpu.memory_space<vmem>>, %arg11: memref<80x32xf32, #tpu.memory_space<vmem>>, %arg12: memref<80x32xf32, #tpu.memory_space<vmem>>, %arg13: memref<16x80xf32, #tpu.memory_space<vmem>>, %arg14: memref<16x80xf32, #tpu.memory_space<vmem>>, %arg15: memref<2x16xf32, #tpu.memory_space<vmem>>, %arg16: memref<!tpu.dma_semaphore, #tpu.memory_space<semaphore_mem>>, %arg17: memref<!tpu.dma_semaphore, #tpu.memory_space<semaphore_mem>>, %arg18: memref<!tpu.dma_semaphore, #tpu.memory_space<semaphore_mem>>, %arg19: memref<!tpu.dma_semaphore, #tpu.memory_space<semaphore_mem>>) attributes {dimension_semantics = [#tpu.dimension_semantics<core_parallel>, #tpu.dimension_semantics<subcore_parallel>], iteration_bounds = array<i64: 2, 16>, scalar_prefetch = 0 : i64, scratch_operands = 13 : i64, tpu.core_type = #tpu.core_type<sc_vector_subcore>, window_params = [{transform_indices = #map}, {transform_indices = #map}, {transform_indices = #map}, {transform_indices = #map}, {transform_indices = #map}]} {
    %mul3A = arith.constant 2 : i32
    %mul3A_0 = arith.muli %arg1, %mul3A : i32
    %add3A = arith.addi %mul3A_0, %arg0 : i32
    %mul3A_1 = arith.constant 10000 : i32
    %mul3A_2 = arith.muli %add3A, %mul3A_1 : i32
    "tpu.region"() ({
      %run_scoped3A_66 = tpu.sem_alloc : memref<!tpu.dma_semaphore, #tpu.memory_space<semaphore_mem>>
      tpu.enqueue_dma source(%arg5 : memref<2x16xf32, #tpu.memory_space<hbm>>) target(%arg15 : memref<2x16xf32, #tpu.memory_space<vmem>>) target_semaphore(%run_scoped3A_66 : memref<!tpu.dma_semaphore, #tpu.memory_space<semaphore_mem>>)
      tpu.wait_dma2 semaphore(%run_scoped3A_66 : memref<!tpu.dma_semaphore, #tpu.memory_space<semaphore_mem>>) src(%arg5 : memref<2x16xf32, #tpu.memory_space<hbm>>) dst(%arg15 : memref<2x16xf32, #tpu.memory_space<vmem>>)
      tpu.yield
    }) : () -> ()
    %run_scoped3A = arith.constant 0 : i32
    "tpu.region"() ({
      %run_scoped3A_66 = tpu.sem_alloc : memref<!tpu.dma_semaphore, #tpu.memory_space<semaphore_mem>>
      %dma_start3A_67 = tpu.memref_slice %arg4[%run_scoped3A, %mul3A_2] : memref<2x320000xi32, #tpu.memory_space<hbm>> -> memref<1x10000xi32, #tpu.memory_space<hbm>>
      %dma_start3A_68 = tpu.memref_squeeze %dma_start3A_67 : memref<1x10000xi32, #tpu.memory_space<hbm>> -> memref<10000xi32, #tpu.memory_space<hbm>>
      %dma_start3A_69 = tpu.memref_slice %arg4[%run_scoped3A, %mul3A_2] : memref<2x320000xi32, #tpu.memory_space<hbm>> -> memref<1x10000xi32, #tpu.memory_space<hbm>>
      %dma_start3A_70 = tpu.memref_squeeze %dma_start3A_69 : memref<1x10000xi32, #tpu.memory_space<hbm>> -> memref<10000xi32, #tpu.memory_space<hbm>>
      tpu.enqueue_dma source(%dma_start3A_70 : memref<10000xi32, #tpu.memory_space<hbm>>) target(%arg7 : memref<10000xi32, #tpu.memory_space<vmem>>) target_semaphore(%run_scoped3A_66 : memref<!tpu.dma_semaphore, #tpu.memory_space<semaphore_mem>>)
      %dma_wait3A_71 = tpu.memref_slice %arg4[%run_scoped3A, %mul3A_2] : memref<2x320000xi32, #tpu.memory_space<hbm>> -> memref<1x10000xi32, #tpu.memory_space<hbm>>
      %dma_wait3A_72 = tpu.memref_squeeze %dma_wait3A_71 : memref<1x10000xi32, #tpu.memory_space<hbm>> -> memref<10000xi32, #tpu.memory_space<hbm>>
      %dma_wait3A_73 = tpu.memref_slice %arg4[%run_scoped3A, %mul3A_2] : memref<2x320000xi32, #tpu.memory_space<hbm>> -> memref<1x10000xi32, #tpu.memory_space<hbm>>
      %dma_wait3A_74 = tpu.memref_squeeze %dma_wait3A_73 : memref<1x10000xi32, #tpu.memory_space<hbm>> -> memref<10000xi32, #tpu.memory_space<hbm>>
      tpu.wait_dma2 semaphore(%run_scoped3A_66 : memref<!tpu.dma_semaphore, #tpu.memory_space<semaphore_mem>>) src(%dma_wait3A_74 : memref<10000xi32, #tpu.memory_space<hbm>>) dst(%arg7 : memref<10000xi32, #tpu.memory_space<vmem>>)
      tpu.yield
    }) : () -> ()
    %run_scoped3A_3 = arith.constant 1 : i32
    "tpu.region"() ({
      %run_scoped3A_66 = tpu.sem_alloc : memref<!tpu.dma_semaphore, #tpu.memory_space<semaphore_mem>>
      %dma_start3A_67 = tpu.memref_slice %arg4[%run_scoped3A_3, %mul3A_2] : memref<2x320000xi32, #tpu.memory_space<hbm>> -> memref<1x10000xi32, #tpu.memory_space<hbm>>
      %dma_start3A_68 = tpu.memref_squeeze %dma_start3A_67 : memref<1x10000xi32, #tpu.memory_space<hbm>> -> memref<10000xi32, #tpu.memory_space<hbm>>
      %dma_start3A_69 = tpu.memref_slice %arg4[%run_scoped3A_3, %mul3A_2] : memref<2x320000xi32, #tpu.memory_space<hbm>> -> memref<1x10000xi32, #tpu.memory_space<hbm>>
      %dma_start3A_70 = tpu.memref_squeeze %dma_start3A_69 : memref<1x10000xi32, #tpu.memory_space<hbm>> -> memref<10000xi32, #tpu.memory_space<hbm>>
      tpu.enqueue_dma source(%dma_start3A_70 : memref<10000xi32, #tpu.memory_space<hbm>>) target(%arg8 : memref<10000xi32, #tpu.memory_space<vmem>>) target_semaphore(%run_scoped3A_66 : memref<!tpu.dma_semaphore, #tpu.memory_space<semaphore_mem>>)
      %dma_wait3A_71 = tpu.memref_slice %arg4[%run_scoped3A_3, %mul3A_2] : memref<2x320000xi32, #tpu.memory_space<hbm>> -> memref<1x10000xi32, #tpu.memory_space<hbm>>
      %dma_wait3A_72 = tpu.memref_squeeze %dma_wait3A_71 : memref<1x10000xi32, #tpu.memory_space<hbm>> -> memref<10000xi32, #tpu.memory_space<hbm>>
      %dma_wait3A_73 = tpu.memref_slice %arg4[%run_scoped3A_3, %mul3A_2] : memref<2x320000xi32, #tpu.memory_space<hbm>> -> memref<1x10000xi32, #tpu.memory_space<hbm>>
      %dma_wait3A_74 = tpu.memref_squeeze %dma_wait3A_73 : memref<1x10000xi32, #tpu.memory_space<hbm>> -> memref<10000xi32, #tpu.memory_space<hbm>>
      tpu.wait_dma2 semaphore(%run_scoped3A_66 : memref<!tpu.dma_semaphore, #tpu.memory_space<semaphore_mem>>) src(%dma_wait3A_74 : memref<10000xi32, #tpu.memory_space<hbm>>) dst(%arg8 : memref<10000xi32, #tpu.memory_space<vmem>>)
      tpu.yield
    }) : () -> ()
    %get3A = arith.constant 0 : i32
    %get3A_4 = arith.index_cast %get3A : i32 to index
    %get3A_5 = arith.constant 0 : index
    %get3A_6 = tpu.vector_load %arg15[%get3A_4, %get3A_5] {strides = array<i32>} : memref<2x16xf32, #tpu.memory_space<vmem>>, vector<16xf32>,
    %get3A_7 = arith.constant 1 : i32
    %get3A_8 = arith.index_cast %get3A_7 : i32 to index
    %get3A_9 = arith.constant 0 : index
    %get3A_10 = tpu.vector_load %arg15[%get3A_8, %get3A_9] {strides = array<i32>} : memref<2x16xf32, #tpu.memory_space<vmem>>, vector<16xf32>,
    %broadcast_in_dim3A = arith.constant 0 : i32
    %broadcast_in_dim3A_11 = vector.broadcast %broadcast_in_dim3A : i32 to vector<16xi32>
    %broadcast_in_dim3A_12 = arith.constant 1 : i32
    %broadcast_in_dim3A_13 = vector.broadcast %broadcast_in_dim3A_12 : i32 to vector<16xi32>
    %iota3A = tpu.iota {dimensions = array<i32: 0>} : vector<16xi32>
    %dma_start3A = arith.constant 0 : i32
    %dma_start3A_14 = tpu.memref_slice %arg7[%dma_start3A] : memref<10000xi32, #tpu.memory_space<vmem>> -> memref<80xi32, #tpu.memory_space<vmem>>
    %dma_start3A_15 = arith.constant 0 : i32
    %dma_start3A_16 = arith.constant 0 : i32
    %dma_start3A_17 = tpu.memref_slice %arg2[%dma_start3A_15, %dma_start3A_16] : memref<10000x32xf32, #tpu.memory_space<hbm>> -> memref<10000x32xf32, #tpu.memory_space<hbm>>
    tpu.enqueue_indirect_dma source(%dma_start3A_17 : memref<10000x32xf32, #tpu.memory_space<hbm>>) target(%arg9 : memref<80x32xf32, #tpu.memory_space<vmem>>) offsets(%dma_start3A_14 : memref<80xi32, #tpu.memory_space<vmem>>) semaphore(%arg16 : memref<!tpu.dma_semaphore, #tpu.memory_space<semaphore_mem>>)
    %dma_start3A_18 = arith.constant 0 : i32
    %dma_start3A_19 = tpu.memref_slice %arg8[%dma_start3A_18] : memref<10000xi32, #tpu.memory_space<vmem>> -> memref<80xi32, #tpu.memory_space<vmem>>
    %dma_start3A_20 = arith.constant 0 : i32
    %dma_start3A_21 = arith.constant 0 : i32
    %dma_start3A_22 = tpu.memref_slice %arg3[%dma_start3A_20, %dma_start3A_21] : memref<5000x32xf32, #tpu.memory_space<hbm>> -> memref<5000x32xf32, #tpu.memory_space<hbm>>
    tpu.enqueue_indirect_dma source(%dma_start3A_22 : memref<5000x32xf32, #tpu.memory_space<hbm>>) target(%arg10 : memref<80x32xf32, #tpu.memory_space<vmem>>) offsets(%dma_start3A_19 : memref<80xi32, #tpu.memory_space<vmem>>) semaphore(%arg16 : memref<!tpu.dma_semaphore, #tpu.memory_space<semaphore_mem>>)
    %scan3A = arith.constant 0 : i32
    %scan3A_23 = arith.constant 0 : i32
    %scan3A_24 = arith.constant 62 : i32
    %scan3A_25 = arith.addi %scan3A_23, %scan3A_24 : i32
    %scan3A_26 = arith.constant 1 : i32
    %scan3A_27 = scf.for %scan3A_66 = %scan3A_23 to %scan3A_25 step %scan3A_26 iter_args(%scan3A_67 = %scan3A) -> (i32)  : i32 {
      %mul3A_68 = arith.constant 2 : i32
      %mul3A_69 = arith.muli %mul3A_68, %scan3A_66 : i32
      %add3A_70 = arith.constant 1 : i32
      %add3A_71 = arith.addi %mul3A_69, %add3A_70 : i32
      %mul3A_72 = arith.constant 80 : i32
      %mul3A_73 = arith.muli %add3A_71, %mul3A_72 : i32
      %dma_start3A_74 = tpu.memref_slice %arg7[%mul3A_73] : memref<10000xi32, #tpu.memory_space<vmem>> -> memref<80xi32, #tpu.memory_space<vmem>>
      %dma_start3A_75 = arith.constant 0 : i32
      %dma_start3A_76 = arith.constant 0 : i32
      %dma_start3A_77 = tpu.memref_slice %arg2[%dma_start3A_75, %dma_start3A_76] : memref<10000x32xf32, #tpu.memory_space<hbm>> -> memref<10000x32xf32, #tpu.memory_space<hbm>>
      tpu.enqueue_indirect_dma source(%dma_start3A_77 : memref<10000x32xf32, #tpu.memory_space<hbm>>) target(%arg11 : memref<80x32xf32, #tpu.memory_space<vmem>>) offsets(%dma_start3A_74 : memref<80xi32, #tpu.memory_space<vmem>>) semaphore(%arg17 : memref<!tpu.dma_semaphore, #tpu.memory_space<semaphore_mem>>)
      %dma_start3A_78 = tpu.memref_slice %arg8[%mul3A_73] : memref<10000xi32, #tpu.memory_space<vmem>> -> memref<80xi32, #tpu.memory_space<vmem>>
      %dma_start3A_79 = arith.constant 0 : i32
      %dma_start3A_80 = arith.constant 0 : i32
      %dma_start3A_81 = tpu.memref_slice %arg3[%dma_start3A_79, %dma_start3A_80] : memref<5000x32xf32, #tpu.memory_space<hbm>> -> memref<5000x32xf32, #tpu.memory_space<hbm>>
      tpu.enqueue_indirect_dma source(%dma_start3A_81 : memref<5000x32xf32, #tpu.memory_space<hbm>>) target(%arg12 : memref<80x32xf32, #tpu.memory_space<vmem>>) offsets(%dma_start3A_78 : memref<80xi32, #tpu.memory_space<vmem>>) semaphore(%arg17 : memref<!tpu.dma_semaphore, #tpu.memory_space<semaphore_mem>>)
      %dma_wait3A_82 = arith.constant 0 : i32
      %dma_wait3A_83 = arith.constant 0 : i32
      %dma_wait3A_84 = tpu.memref_slice %arg2[%dma_wait3A_82, %dma_wait3A_83] : memref<10000x32xf32, #tpu.memory_space<hbm>> -> memref<80x32xf32, #tpu.memory_space<hbm>>
      %dma_wait3A_85 = arith.constant 0 : i32
      %dma_wait3A_86 = arith.constant 0 : i32
      %dma_wait3A_87 = tpu.memref_slice %arg2[%dma_wait3A_85, %dma_wait3A_86] : memref<10000x32xf32, #tpu.memory_space<hbm>> -> memref<80x32xf32, #tpu.memory_space<hbm>>
      tpu.wait_dma2 semaphore(%arg16 : memref<!tpu.dma_semaphore, #tpu.memory_space<semaphore_mem>>) src(%dma_wait3A_87 : memref<80x32xf32, #tpu.memory_space<hbm>>) dst(%arg9 : memref<80x32xf32, #tpu.memory_space<vmem>>)
      %dma_wait3A_88 = arith.constant 0 : i32
      %dma_wait3A_89 = arith.constant 0 : i32
      %dma_wait3A_90 = tpu.memref_slice %arg3[%dma_wait3A_88, %dma_wait3A_89] : memref<5000x32xf32, #tpu.memory_space<hbm>> -> memref<80x32xf32, #tpu.memory_space<hbm>>
      %dma_wait3A_91 = arith.constant 0 : i32
      %dma_wait3A_92 = arith.constant 0 : i32
      %dma_wait3A_93 = tpu.memref_slice %arg3[%dma_wait3A_91, %dma_wait3A_92] : memref<5000x32xf32, #tpu.memory_space<hbm>> -> memref<80x32xf32, #tpu.memory_space<hbm>>
      tpu.wait_dma2 semaphore(%arg16 : memref<!tpu.dma_semaphore, #tpu.memory_space<semaphore_mem>>) src(%dma_wait3A_93 : memref<80x32xf32, #tpu.memory_space<hbm>>) dst(%arg10 : memref<80x32xf32, #tpu.memory_space<vmem>>)
      %mul3A_94 = arith.constant 2 : i32
      %mul3A_95 = arith.muli %mul3A_94, %scan3A_66 : i32
      %ge3A = arith.constant 2 : i32
      %ge3A_96 = arith.cmpi sge, %mul3A_95, %ge3A : i32
      %convert_element_type3A = arith.extui %ge3A_96 : i1 to i32
      %cond3A = arith.constant 0 : i32
      %cond3A_97 = arith.cmpi ne, %convert_element_type3A, %cond3A : i32
      scf.if %cond3A_97 {
        %dma_wait3A_154 = arith.constant 0 : i32
        %dma_wait3A_155 = arith.constant 0 : i32
        %dma_wait3A_156 = tpu.memref_slice %arg6[%dma_wait3A_154, %dma_wait3A_155] : memref<16x320000xf32, #tpu.memory_space<hbm>> -> memref<16x80xf32, #tpu.memory_space<hbm>>
        %dma_wait3A_157 = arith.constant 0 : i32
        %dma_wait3A_158 = arith.constant 0 : i32
        %dma_wait3A_159 = tpu.memref_slice %arg6[%dma_wait3A_157, %dma_wait3A_158] : memref<16x320000xf32, #tpu.memory_space<hbm>> -> memref<16x80xf32, #tpu.memory_space<hbm>>
        tpu.wait_dma2 semaphore(%arg18 : memref<!tpu.dma_semaphore, #tpu.memory_space<semaphore_mem>>) src(%dma_wait3A_159 : memref<16x80xf32, #tpu.memory_space<hbm>>) dst(%arg13 : memref<16x80xf32, #tpu.memory_space<vmem>>)
      } else {
      }
      %parallel_loop3A_98 = arith.constant 0 : i32
      %parallel_loop3A_99 = arith.constant 80 : i32
      %parallel_loop3A_100 = arith.constant 1 : i32
      scf.for %parallel_loop3A_154 = %parallel_loop3A_98 to %parallel_loop3A_99 step %parallel_loop3A_100  : i32 {
        %parallel_loop3A_155 = arith.index_cast %parallel_loop3A_154 : i32 to index
        %parallel_loop3A_156 = arith.constant 16 : index
        %parallel_loop3A_157 = tpu.vector_load %arg9[%parallel_loop3A_155, %parallel_loop3A_156] {strides = array<i32>} : memref<80x32xf32, #tpu.memory_space<vmem>>, vector<16xf32>,
        %parallel_loop3A_158 = arith.index_cast %parallel_loop3A_154 : i32 to index
        %parallel_loop3A_159 = arith.constant 16 : index
        %parallel_loop3A_160 = tpu.vector_load %arg10[%parallel_loop3A_158, %parallel_loop3A_159] {strides = array<i32>} : memref<80x32xf32, #tpu.memory_space<vmem>>, vector<16xf32>,
        %parallel_loop3A_161 = arith.addf %parallel_loop3A_157, %parallel_loop3A_160 : vector<16xf32>
        %parallel_loop3A_162 = arith.constant 0 : i32
        %parallel_loop3A_163 = vector.broadcast %parallel_loop3A_162 : i32 to vector<16xi32>
        %parallel_loop3A_164 = arith.cmpi slt, %broadcast_in_dim3A_11, %parallel_loop3A_163 : vector<16xi32>
        %parallel_loop3A_165 = arith.constant 16 : i32
        %parallel_loop3A_166 = vector.broadcast %parallel_loop3A_165 : i32 to vector<16xi32>
        %parallel_loop3A_167 = arith.addi %broadcast_in_dim3A_11, %parallel_loop3A_166 : vector<16xi32>
        %parallel_loop3A_168 = arith.select %parallel_loop3A_164, %parallel_loop3A_167, %broadcast_in_dim3A_11 : vector<16xi1>, vector<16xi32>
        %parallel_loop3A_169 = vector.shape_cast %parallel_loop3A_168 : vector<16xi32> to vector<16x1xi32>
        %parallel_loop3A_170 = vector.shape_cast %parallel_loop3A_169 : vector<16x1xi32> to vector<16xi32>
        %parallel_loop3A_171 = tpu.dynamic_gather %parallel_loop3A_161[%parallel_loop3A_170] in [0] : vector<16xf32>, vector<16xi32> -> vector<16xf32>
        %parallel_loop3A_172 = arith.constant 0 : i32
        %parallel_loop3A_173 = vector.broadcast %parallel_loop3A_172 : i32 to vector<16xi32>
        %parallel_loop3A_174 = arith.cmpi slt, %broadcast_in_dim3A_13, %parallel_loop3A_173 : vector<16xi32>
        %parallel_loop3A_175 = arith.constant 16 : i32
        %parallel_loop3A_176 = vector.broadcast %parallel_loop3A_175 : i32 to vector<16xi32>
        %parallel_loop3A_177 = arith.addi %broadcast_in_dim3A_13, %parallel_loop3A_176 : vector<16xi32>
        %parallel_loop3A_178 = arith.select %parallel_loop3A_174, %parallel_loop3A_177, %broadcast_in_dim3A_13 : vector<16xi1>, vector<16xi32>
        %parallel_loop3A_179 = vector.shape_cast %parallel_loop3A_178 : vector<16xi32> to vector<16x1xi32>
        %parallel_loop3A_180 = vector.shape_cast %parallel_loop3A_179 : vector<16x1xi32> to vector<16xi32>
        %parallel_loop3A_181 = tpu.dynamic_gather %parallel_loop3A_161[%parallel_loop3A_180] in [0] : vector<16xf32>, vector<16xi32> -> vector<16xf32>
        %parallel_loop3A_182 = arith.constant 3.906250e-03 : f32
        %parallel_loop3A_183 = vector.broadcast %parallel_loop3A_182 : f32 to vector<16xf32>
        %parallel_loop3A_184 = arith.mulf %parallel_loop3A_171, %parallel_loop3A_183 : vector<16xf32>
        %parallel_loop3A_185 = arith.constant 3.906250e-03 : f32
        %parallel_loop3A_186 = vector.broadcast %parallel_loop3A_185 : f32 to vector<16xf32>
        %parallel_loop3A_187 = arith.mulf %parallel_loop3A_181, %parallel_loop3A_186 : vector<16xf32>
        %parallel_loop3A_188 = arith.mulf %parallel_loop3A_184, %parallel_loop3A_184 : vector<16xf32>
        %parallel_loop3A_189 = arith.subf %parallel_loop3A_187, %parallel_loop3A_188 : vector<16xf32>
        %parallel_loop3A_190 = arith.constant 9.99999974E-6 : f32
        %parallel_loop3A_191 = vector.broadcast %parallel_loop3A_190 : f32 to vector<16xf32>
        %parallel_loop3A_192 = arith.addf %parallel_loop3A_189, %parallel_loop3A_191 : vector<16xf32>
        %parallel_loop3A_193 = vector.bitcast %parallel_loop3A_192 : vector<16xf32> to vector<16xi32>
        %parallel_loop3A_194 = arith.constant 1 : i32
        %parallel_loop3A_195 = vector.broadcast %parallel_loop3A_194 : i32 to vector<16xi32>
        %parallel_loop3A_196 = arith.shrsi %parallel_loop3A_193, %parallel_loop3A_195 : vector<16xi32>
        %parallel_loop3A_197 = arith.constant 1597463007 : i32
        %parallel_loop3A_198 = vector.broadcast %parallel_loop3A_197 : i32 to vector<16xi32>
        %parallel_loop3A_199 = arith.subi %parallel_loop3A_198, %parallel_loop3A_196 : vector<16xi32>
        %parallel_loop3A_200 = vector.bitcast %parallel_loop3A_199 : vector<16xi32> to vector<16xf32>
        %parallel_loop3A_201 = arith.constant 5.000000e-01 : f32
        %parallel_loop3A_202 = vector.broadcast %parallel_loop3A_201 : f32 to vector<16xf32>
        %parallel_loop3A_203 = arith.mulf %parallel_loop3A_202, %parallel_loop3A_192 : vector<16xf32>
        %parallel_loop3A_204 = arith.mulf %parallel_loop3A_203, %parallel_loop3A_200 : vector<16xf32>
        %parallel_loop3A_205 = arith.mulf %parallel_loop3A_204, %parallel_loop3A_200 : vector<16xf32>
        %parallel_loop3A_206 = arith.constant 1.500000e+00 : f32
        %parallel_loop3A_207 = vector.broadcast %parallel_loop3A_206 : f32 to vector<16xf32>
        %parallel_loop3A_208 = arith.subf %parallel_loop3A_207, %parallel_loop3A_205 : vector<16xf32>
        %parallel_loop3A_209 = arith.mulf %parallel_loop3A_200, %parallel_loop3A_208 : vector<16xf32>
        %parallel_loop3A_210 = arith.index_cast %parallel_loop3A_154 : i32 to index
        %parallel_loop3A_211 = arith.constant 0 : index
        %parallel_loop3A_212 = tpu.vector_load %arg9[%parallel_loop3A_210, %parallel_loop3A_211] {strides = array<i32>} : memref<80x32xf32, #tpu.memory_space<vmem>>, vector<16xf32>,
        %parallel_loop3A_213 = arith.index_cast %parallel_loop3A_154 : i32 to index
        %parallel_loop3A_214 = arith.constant 0 : index
        %parallel_loop3A_215 = tpu.vector_load %arg10[%parallel_loop3A_213, %parallel_loop3A_214] {strides = array<i32>} : memref<80x32xf32, #tpu.memory_space<vmem>>, vector<16xf32>,
        %parallel_loop3A_216 = arith.addf %parallel_loop3A_212, %parallel_loop3A_215 : vector<16xf32>
        %parallel_loop3A_217 = arith.mulf %parallel_loop3A_184, %get3A_6 : vector<16xf32>
        %parallel_loop3A_218 = arith.subf %parallel_loop3A_216, %parallel_loop3A_217 : vector<16xf32>
        %parallel_loop3A_219 = arith.mulf %parallel_loop3A_218, %parallel_loop3A_209 : vector<16xf32>
        %parallel_loop3A_220 = arith.addf %parallel_loop3A_219, %get3A_10 : vector<16xf32>
        %parallel_loop3A_221 = arith.constant 0.000000e+00 : f32
        %parallel_loop3A_222 = vector.broadcast %parallel_loop3A_221 : f32 to vector<16xf32>
        %parallel_loop3A_223 = arith.subf %parallel_loop3A_222, %parallel_loop3A_220 : vector<16xf32>
        %parallel_loop3A_224 = math.exp %parallel_loop3A_223 : vector<16xf32>
        %parallel_loop3A_225 = arith.constant 1.000000e+00 : f32
        %parallel_loop3A_226 = vector.broadcast %parallel_loop3A_225 : f32 to vector<16xf32>
        %parallel_loop3A_227 = arith.addf %parallel_loop3A_226, %parallel_loop3A_224 : vector<16xf32>
        %parallel_loop3A_228 = arith.constant 1.000000e+00 : f32
        %parallel_loop3A_229 = vector.broadcast %parallel_loop3A_228 : f32 to vector<16xf32>
        %parallel_loop3A_230 = arith.divf %parallel_loop3A_229, %parallel_loop3A_227 : vector<16xf32>
        %parallel_loop3A_231 = vector.broadcast %parallel_loop3A_154 : i32 to vector<16xi32>
        tpu.vector_store_idx %arg13[%iota3A, %parallel_loop3A_231], %parallel_loop3A_230 : memref<16x80xf32, #tpu.memory_space<vmem>>[vector<16xi32>, vector<16xi32>], vector<16xf32>,
      } {sc.loop_unroll_factor = 8 : i64, sc.parallel_access}
      %mul3A_101 = arith.constant 80 : i32
      %mul3A_102 = arith.muli %mul3A_95, %mul3A_101 : i32
      %add3A_103 = arith.addi %mul3A_2, %mul3A_102 : i32
      %dma_start3A_104 = arith.constant 0 : i32
      %dma_start3A_105 = tpu.memref_slice %arg6[%dma_start3A_104, %add3A_103] : memref<16x320000xf32, #tpu.memory_space<hbm>> -> memref<16x80xf32, #tpu.memory_space<hbm>>
      %dma_start3A_106 = arith.constant 0 : i32
      %dma_start3A_107 = tpu.memref_slice %arg6[%dma_start3A_106, %add3A_103] : memref<16x320000xf32, #tpu.memory_space<hbm>> -> memref<16x80xf32, #tpu.memory_space<hbm>>
      tpu.enqueue_dma source(%arg13 : memref<16x80xf32, #tpu.memory_space<vmem>>) target(%dma_start3A_107 : memref<16x80xf32, #tpu.memory_space<hbm>>) target_semaphore(%arg18 : memref<!tpu.dma_semaphore, #tpu.memory_space<semaphore_mem>>)
      %mul3A_108 = arith.constant 2 : i32
      %mul3A_109 = arith.muli %mul3A_108, %scan3A_66 : i32
      %add3A_110 = arith.constant 2 : i32
      %add3A_111 = arith.addi %mul3A_109, %add3A_110 : i32
      %mul3A_112 = arith.constant 80 : i32
      %mul3A_113 = arith.muli %add3A_111, %mul3A_112 : i32
      %dma_start3A_114 = tpu.memref_slice %arg7[%mul3A_113] : memref<10000xi32, #tpu.memory_space<vmem>> -> memref<80xi32, #tpu.memory_space<vmem>>
      %dma_start3A_115 = arith.constant 0 : i32
      %dma_start3A_116 = arith.constant 0 : i32
      %dma_start3A_117 = tpu.memref_slice %arg2[%dma_start3A_115, %dma_start3A_116] : memref<10000x32xf32, #tpu.memory_space<hbm>> -> memref<10000x32xf32, #tpu.memory_space<hbm>>
      tpu.enqueue_indirect_dma source(%dma_start3A_117 : memref<10000x32xf32, #tpu.memory_space<hbm>>) target(%arg9 : memref<80x32xf32, #tpu.memory_space<vmem>>) offsets(%dma_start3A_114 : memref<80xi32, #tpu.memory_space<vmem>>) semaphore(%arg16 : memref<!tpu.dma_semaphore, #tpu.memory_space<semaphore_mem>>)
      %dma_start3A_118 = tpu.memref_slice %arg8[%mul3A_113] : memref<10000xi32, #tpu.memory_space<vmem>> -> memref<80xi32, #tpu.memory_space<vmem>>
      %dma_start3A_119 = arith.constant 0 : i32
      %dma_start3A_120 = arith.constant 0 : i32
      %dma_start3A_121 = tpu.memref_slice %arg3[%dma_start3A_119, %dma_start3A_120] : memref<5000x32xf32, #tpu.memory_space<hbm>> -> memref<5000x32xf32, #tpu.memory_space<hbm>>
      tpu.enqueue_indirect_dma source(%dma_start3A_121 : memref<5000x32xf32, #tpu.memory_space<hbm>>) target(%arg10 : memref<80x32xf32, #tpu.memory_space<vmem>>) offsets(%dma_start3A_118 : memref<80xi32, #tpu.memory_space<vmem>>) semaphore(%arg16 : memref<!tpu.dma_semaphore, #tpu.memory_space<semaphore_mem>>)
      %dma_wait3A_122 = arith.constant 0 : i32
      %dma_wait3A_123 = arith.constant 0 : i32
      %dma_wait3A_124 = tpu.memref_slice %arg2[%dma_wait3A_122, %dma_wait3A_123] : memref<10000x32xf32, #tpu.memory_space<hbm>> -> memref<80x32xf32, #tpu.memory_space<hbm>>
      %dma_wait3A_125 = arith.constant 0 : i32
      %dma_wait3A_126 = arith.constant 0 : i32
      %dma_wait3A_127 = tpu.memref_slice %arg2[%dma_wait3A_125, %dma_wait3A_126] : memref<10000x32xf32, #tpu.memory_space<hbm>> -> memref<80x32xf32, #tpu.memory_space<hbm>>
      tpu.wait_dma2 semaphore(%arg17 : memref<!tpu.dma_semaphore, #tpu.memory_space<semaphore_mem>>) src(%dma_wait3A_127 : memref<80x32xf32, #tpu.memory_space<hbm>>) dst(%arg11 : memref<80x32xf32, #tpu.memory_space<vmem>>)
      %dma_wait3A_128 = arith.constant 0 : i32
      %dma_wait3A_129 = arith.constant 0 : i32
      %dma_wait3A_130 = tpu.memref_slice %arg3[%dma_wait3A_128, %dma_wait3A_129] : memref<5000x32xf32, #tpu.memory_space<hbm>> -> memref<80x32xf32, #tpu.memory_space<hbm>>
      %dma_wait3A_131 = arith.constant 0 : i32
      %dma_wait3A_132 = arith.constant 0 : i32
      %dma_wait3A_133 = tpu.memref_slice %arg3[%dma_wait3A_131, %dma_wait3A_132] : memref<5000x32xf32, #tpu.memory_space<hbm>> -> memref<80x32xf32, #tpu.memory_space<hbm>>
      tpu.wait_dma2 semaphore(%arg17 : memref<!tpu.dma_semaphore, #tpu.memory_space<semaphore_mem>>) src(%dma_wait3A_133 : memref<80x32xf32, #tpu.memory_space<hbm>>) dst(%arg12 : memref<80x32xf32, #tpu.memory_space<vmem>>)
      %mul3A_134 = arith.constant 2 : i32
      %mul3A_135 = arith.muli %mul3A_134, %scan3A_66 : i32
      %add3A_136 = arith.constant 1 : i32
      %add3A_137 = arith.addi %mul3A_135, %add3A_136 : i32
      %ge3A_138 = arith.constant 2 : i32
      %ge3A_139 = arith.cmpi sge, %add3A_137, %ge3A_138 : i32
      %convert_element_type3A_140 = arith.extui %ge3A_139 : i1 to i32
      %cond3A_141 = arith.constant 0 : i32
      %cond3A_142 = arith.cmpi ne, %convert_element_type3A_140, %cond3A_141 : i32
      scf.if %cond3A_142 {
        %dma_wait3A_154 = arith.constant 0 : i32
        %dma_wait3A_155 = arith.constant 0 : i32
        %dma_wait3A_156 = tpu.memref_slice %arg6[%dma_wait3A_154, %dma_wait3A_155] : memref<16x320000xf32, #tpu.memory_space<hbm>> -> memref<16x80xf32, #tpu.memory_space<hbm>>
        %dma_wait3A_157 = arith.constant 0 : i32
        %dma_wait3A_158 = arith.constant 0 : i32
        %dma_wait3A_159 = tpu.memref_slice %arg6[%dma_wait3A_157, %dma_wait3A_158] : memref<16x320000xf32, #tpu.memory_space<hbm>> -> memref<16x80xf32, #tpu.memory_space<hbm>>
        tpu.wait_dma2 semaphore(%arg19 : memref<!tpu.dma_semaphore, #tpu.memory_space<semaphore_mem>>) src(%dma_wait3A_159 : memref<16x80xf32, #tpu.memory_space<hbm>>) dst(%arg14 : memref<16x80xf32, #tpu.memory_space<vmem>>)
      } else {
      }
      %parallel_loop3A_143 = arith.constant 0 : i32
      %parallel_loop3A_144 = arith.constant 80 : i32
      %parallel_loop3A_145 = arith.constant 1 : i32
      scf.for %parallel_loop3A_154 = %parallel_loop3A_143 to %parallel_loop3A_144 step %parallel_loop3A_145  : i32 {
        %parallel_loop3A_155 = arith.index_cast %parallel_loop3A_154 : i32 to index
        %parallel_loop3A_156 = arith.constant 16 : index
        %parallel_loop3A_157 = tpu.vector_load %arg11[%parallel_loop3A_155, %parallel_loop3A_156] {strides = array<i32>} : memref<80x32xf32, #tpu.memory_space<vmem>>, vector<16xf32>,
        %parallel_loop3A_158 = arith.index_cast %parallel_loop3A_154 : i32 to index
        %parallel_loop3A_159 = arith.constant 16 : index
        %parallel_loop3A_160 = tpu.vector_load %arg12[%parallel_loop3A_158, %parallel_loop3A_159] {strides = array<i32>} : memref<80x32xf32, #tpu.memory_space<vmem>>, vector<16xf32>,
        %parallel_loop3A_161 = arith.addf %parallel_loop3A_157, %parallel_loop3A_160 : vector<16xf32>
        %parallel_loop3A_162 = arith.constant 0 : i32
        %parallel_loop3A_163 = vector.broadcast %parallel_loop3A_162 : i32 to vector<16xi32>
        %parallel_loop3A_164 = arith.cmpi slt, %broadcast_in_dim3A_11, %parallel_loop3A_163 : vector<16xi32>
        %parallel_loop3A_165 = arith.constant 16 : i32
        %parallel_loop3A_166 = vector.broadcast %parallel_loop3A_165 : i32 to vector<16xi32>
        %parallel_loop3A_167 = arith.addi %broadcast_in_dim3A_11, %parallel_loop3A_166 : vector<16xi32>
        %parallel_loop3A_168 = arith.select %parallel_loop3A_164, %parallel_loop3A_167, %broadcast_in_dim3A_11 : vector<16xi1>, vector<16xi32>
        %parallel_loop3A_169 = vector.shape_cast %parallel_loop3A_168 : vector<16xi32> to vector<16x1xi32>
        %parallel_loop3A_170 = vector.shape_cast %parallel_loop3A_169 : vector<16x1xi32> to vector<16xi32>
        %parallel_loop3A_171 = tpu.dynamic_gather %parallel_loop3A_161[%parallel_loop3A_170] in [0] : vector<16xf32>, vector<16xi32> -> vector<16xf32>
        %parallel_loop3A_172 = arith.constant 0 : i32
        %parallel_loop3A_173 = vector.broadcast %parallel_loop3A_172 : i32 to vector<16xi32>
        %parallel_loop3A_174 = arith.cmpi slt, %broadcast_in_dim3A_13, %parallel_loop3A_173 : vector<16xi32>
        %parallel_loop3A_175 = arith.constant 16 : i32
        %parallel_loop3A_176 = vector.broadcast %parallel_loop3A_175 : i32 to vector<16xi32>
        %parallel_loop3A_177 = arith.addi %broadcast_in_dim3A_13, %parallel_loop3A_176 : vector<16xi32>
        %parallel_loop3A_178 = arith.select %parallel_loop3A_174, %parallel_loop3A_177, %broadcast_in_dim3A_13 : vector<16xi1>, vector<16xi32>
        %parallel_loop3A_179 = vector.shape_cast %parallel_loop3A_178 : vector<16xi32> to vector<16x1xi32>
        %parallel_loop3A_180 = vector.shape_cast %parallel_loop3A_179 : vector<16x1xi32> to vector<16xi32>
        %parallel_loop3A_181 = tpu.dynamic_gather %parallel_loop3A_161[%parallel_loop3A_180] in [0] : vector<16xf32>, vector<16xi32> -> vector<16xf32>
        %parallel_loop3A_182 = arith.constant 3.906250e-03 : f32
        %parallel_loop3A_183 = vector.broadcast %parallel_loop3A_182 : f32 to vector<16xf32>
        %parallel_loop3A_184 = arith.mulf %parallel_loop3A_171, %parallel_loop3A_183 : vector<16xf32>
        %parallel_loop3A_185 = arith.constant 3.906250e-03 : f32
        %parallel_loop3A_186 = vector.broadcast %parallel_loop3A_185 : f32 to vector<16xf32>
        %parallel_loop3A_187 = arith.mulf %parallel_loop3A_181, %parallel_loop3A_186 : vector<16xf32>
        %parallel_loop3A_188 = arith.mulf %parallel_loop3A_184, %parallel_loop3A_184 : vector<16xf32>
        %parallel_loop3A_189 = arith.subf %parallel_loop3A_187, %parallel_loop3A_188 : vector<16xf32>
        %parallel_loop3A_190 = arith.constant 9.99999974E-6 : f32
        %parallel_loop3A_191 = vector.broadcast %parallel_loop3A_190 : f32 to vector<16xf32>
        %parallel_loop3A_192 = arith.addf %parallel_loop3A_189, %parallel_loop3A_191 : vector<16xf32>
        %parallel_loop3A_193 = vector.bitcast %parallel_loop3A_192 : vector<16xf32> to vector<16xi32>
        %parallel_loop3A_194 = arith.constant 1 : i32
        %parallel_loop3A_195 = vector.broadcast %parallel_loop3A_194 : i32 to vector<16xi32>
        %parallel_loop3A_196 = arith.shrsi %parallel_loop3A_193, %parallel_loop3A_195 : vector<16xi32>
        %parallel_loop3A_197 = arith.constant 1597463007 : i32
        %parallel_loop3A_198 = vector.broadcast %parallel_loop3A_197 : i32 to vector<16xi32>
        %parallel_loop3A_199 = arith.subi %parallel_loop3A_198, %parallel_loop3A_196 : vector<16xi32>
        %parallel_loop3A_200 = vector.bitcast %parallel_loop3A_199 : vector<16xi32> to vector<16xf32>
        %parallel_loop3A_201 = arith.constant 5.000000e-01 : f32
        %parallel_loop3A_202 = vector.broadcast %parallel_loop3A_201 : f32 to vector<16xf32>
        %parallel_loop3A_203 = arith.mulf %parallel_loop3A_202, %parallel_loop3A_192 : vector<16xf32>
        %parallel_loop3A_204 = arith.mulf %parallel_loop3A_203, %parallel_loop3A_200 : vector<16xf32>
        %parallel_loop3A_205 = arith.mulf %parallel_loop3A_204, %parallel_loop3A_200 : vector<16xf32>
        %parallel_loop3A_206 = arith.constant 1.500000e+00 : f32
        %parallel_loop3A_207 = vector.broadcast %parallel_loop3A_206 : f32 to vector<16xf32>
        %parallel_loop3A_208 = arith.subf %parallel_loop3A_207, %parallel_loop3A_205 : vector<16xf32>
        %parallel_loop3A_209 = arith.mulf %parallel_loop3A_200, %parallel_loop3A_208 : vector<16xf32>
        %parallel_loop3A_210 = arith.index_cast %parallel_loop3A_154 : i32 to index
        %parallel_loop3A_211 = arith.constant 0 : index
        %parallel_loop3A_212 = tpu.vector_load %arg11[%parallel_loop3A_210, %parallel_loop3A_211] {strides = array<i32>} : memref<80x32xf32, #tpu.memory_space<vmem>>, vector<16xf32>,
        %parallel_loop3A_213 = arith.index_cast %parallel_loop3A_154 : i32 to index
        %parallel_loop3A_214 = arith.constant 0 : index
        %parallel_loop3A_215 = tpu.vector_load %arg12[%parallel_loop3A_213, %parallel_loop3A_214] {strides = array<i32>} : memref<80x32xf32, #tpu.memory_space<vmem>>, vector<16xf32>,
        %parallel_loop3A_216 = arith.addf %parallel_loop3A_212, %parallel_loop3A_215 : vector<16xf32>
        %parallel_loop3A_217 = arith.mulf %parallel_loop3A_184, %get3A_6 : vector<16xf32>
        %parallel_loop3A_218 = arith.subf %parallel_loop3A_216, %parallel_loop3A_217 : vector<16xf32>
        %parallel_loop3A_219 = arith.mulf %parallel_loop3A_218, %parallel_loop3A_209 : vector<16xf32>
        %parallel_loop3A_220 = arith.addf %parallel_loop3A_219, %get3A_10 : vector<16xf32>
        %parallel_loop3A_221 = arith.constant 0.000000e+00 : f32
        %parallel_loop3A_222 = vector.broadcast %parallel_loop3A_221 : f32 to vector<16xf32>
        %parallel_loop3A_223 = arith.subf %parallel_loop3A_222, %parallel_loop3A_220 : vector<16xf32>
        %parallel_loop3A_224 = math.exp %parallel_loop3A_223 : vector<16xf32>
        %parallel_loop3A_225 = arith.constant 1.000000e+00 : f32
        %parallel_loop3A_226 = vector.broadcast %parallel_loop3A_225 : f32 to vector<16xf32>
        %parallel_loop3A_227 = arith.addf %parallel_loop3A_226, %parallel_loop3A_224 : vector<16xf32>
        %parallel_loop3A_228 = arith.constant 1.000000e+00 : f32
        %parallel_loop3A_229 = vector.broadcast %parallel_loop3A_228 : f32 to vector<16xf32>
        %parallel_loop3A_230 = arith.divf %parallel_loop3A_229, %parallel_loop3A_227 : vector<16xf32>
        %parallel_loop3A_231 = vector.broadcast %parallel_loop3A_154 : i32 to vector<16xi32>
        tpu.vector_store_idx %arg14[%iota3A, %parallel_loop3A_231], %parallel_loop3A_230 : memref<16x80xf32, #tpu.memory_space<vmem>>[vector<16xi32>, vector<16xi32>], vector<16xf32>,
      } {sc.loop_unroll_factor = 8 : i64, sc.parallel_access}
      %mul3A_146 = arith.constant 80 : i32
      %mul3A_147 = arith.muli %add3A_137, %mul3A_146 : i32
      %add3A_148 = arith.addi %mul3A_2, %mul3A_147 : i32
      %dma_start3A_149 = arith.constant 0 : i32
      %dma_start3A_150 = tpu.memref_slice %arg6[%dma_start3A_149, %add3A_148] : memref<16x320000xf32, #tpu.memory_space<hbm>> -> memref<16x80xf32, #tpu.memory_space<hbm>>
      %dma_start3A_151 = arith.constant 0 : i32
      %dma_start3A_152 = tpu.memref_slice %arg6[%dma_start3A_151, %add3A_148] : memref<16x320000xf32, #tpu.memory_space<hbm>> -> memref<16x80xf32, #tpu.memory_space<hbm>>
      tpu.enqueue_dma source(%arg14 : memref<16x80xf32, #tpu.memory_space<vmem>>) target(%dma_start3A_152 : memref<16x80xf32, #tpu.memory_space<hbm>>) target_semaphore(%arg19 : memref<!tpu.dma_semaphore, #tpu.memory_space<semaphore_mem>>)
      %scan3A_153 = arith.constant 0 : i32
      scf.yield %scan3A_153 : i32
    }
    %scan3A_28 = arith.constant 62 : i32
    %dma_wait3A = arith.constant 0 : i32
    %dma_wait3A_29 = arith.constant 0 : i32
    %dma_wait3A_30 = tpu.memref_slice %arg2[%dma_wait3A, %dma_wait3A_29] : memref<10000x32xf32, #tpu.memory_space<hbm>> -> memref<80x32xf32, #tpu.memory_space<hbm>>
    %dma_wait3A_31 = arith.constant 0 : i32
    %dma_wait3A_32 = arith.constant 0 : i32
    %dma_wait3A_33 = tpu.memref_slice %arg2[%dma_wait3A_31, %dma_wait3A_32] : memref<10000x32xf32, #tpu.memory_space<hbm>> -> memref<80x32xf32, #tpu.memory_space<hbm>>
    tpu.wait_dma2 semaphore(%arg16 : memref<!tpu.dma_semaphore, #tpu.memory_space<semaphore_mem>>) src(%dma_wait3A_33 : memref<80x32xf32, #tpu.memory_space<hbm>>) dst(%arg9 : memref<80x32xf32, #tpu.memory_space<vmem>>)
    %dma_wait3A_34 = arith.constant 0 : i32
    %dma_wait3A_35 = arith.constant 0 : i32
    %dma_wait3A_36 = tpu.memref_slice %arg3[%dma_wait3A_34, %dma_wait3A_35] : memref<5000x32xf32, #tpu.memory_space<hbm>> -> memref<80x32xf32, #tpu.memory_space<hbm>>
    %dma_wait3A_37 = arith.constant 0 : i32
    %dma_wait3A_38 = arith.constant 0 : i32
    %dma_wait3A_39 = tpu.memref_slice %arg3[%dma_wait3A_37, %dma_wait3A_38] : memref<5000x32xf32, #tpu.memory_space<hbm>> -> memref<80x32xf32, #tpu.memory_space<hbm>>
    tpu.wait_dma2 semaphore(%arg16 : memref<!tpu.dma_semaphore, #tpu.memory_space<semaphore_mem>>) src(%dma_wait3A_39 : memref<80x32xf32, #tpu.memory_space<hbm>>) dst(%arg10 : memref<80x32xf32, #tpu.memory_space<vmem>>)
    %dma_wait3A_40 = arith.constant 0 : i32
    %dma_wait3A_41 = arith.constant 0 : i32
    %dma_wait3A_42 = tpu.memref_slice %arg6[%dma_wait3A_40, %dma_wait3A_41] : memref<16x320000xf32, #tpu.memory_space<hbm>> -> memref<16x80xf32, #tpu.memory_space<hbm>>
    %dma_wait3A_43 = arith.constant 0 : i32
    %dma_wait3A_44 = arith.constant 0 : i32
    %dma_wait3A_45 = tpu.memref_slice %arg6[%dma_wait3A_43, %dma_wait3A_44] : memref<16x320000xf32, #tpu.memory_space<hbm>> -> memref<16x80xf32, #tpu.memory_space<hbm>>
    tpu.wait_dma2 semaphore(%arg18 : memref<!tpu.dma_semaphore, #tpu.memory_space<semaphore_mem>>) src(%dma_wait3A_45 : memref<16x80xf32, #tpu.memory_space<hbm>>) dst(%arg13 : memref<16x80xf32, #tpu.memory_space<vmem>>)
    %parallel_loop3A = arith.constant 0 : i32
    %parallel_loop3A_46 = arith.constant 80 : i32
    %parallel_loop3A_47 = arith.constant 1 : i32
    scf.for %parallel_loop3A_66 = %parallel_loop3A to %parallel_loop3A_46 step %parallel_loop3A_47  : i32 {
      %parallel_loop3A_67 = arith.index_cast %parallel_loop3A_66 : i32 to index
      %parallel_loop3A_68 = arith.constant 16 : index
      %parallel_loop3A_69 = tpu.vector_load %arg9[%parallel_loop3A_67, %parallel_loop3A_68] {strides = array<i32>} : memref<80x32xf32, #tpu.memory_space<vmem>>, vector<16xf32>,
      %parallel_loop3A_70 = arith.index_cast %parallel_loop3A_66 : i32 to index
      %parallel_loop3A_71 = arith.constant 16 : index
      %parallel_loop3A_72 = tpu.vector_load %arg10[%parallel_loop3A_70, %parallel_loop3A_71] {strides = array<i32>} : memref<80x32xf32, #tpu.memory_space<vmem>>, vector<16xf32>,
      %parallel_loop3A_73 = arith.addf %parallel_loop3A_69, %parallel_loop3A_72 : vector<16xf32>
      %parallel_loop3A_74 = arith.constant 0 : i32
      %parallel_loop3A_75 = vector.broadcast %parallel_loop3A_74 : i32 to vector<16xi32>
      %parallel_loop3A_76 = arith.cmpi slt, %broadcast_in_dim3A_11, %parallel_loop3A_75 : vector<16xi32>
      %parallel_loop3A_77 = arith.constant 16 : i32
      %parallel_loop3A_78 = vector.broadcast %parallel_loop3A_77 : i32 to vector<16xi32>
      %parallel_loop3A_79 = arith.addi %broadcast_in_dim3A_11, %parallel_loop3A_78 : vector<16xi32>
      %parallel_loop3A_80 = arith.select %parallel_loop3A_76, %parallel_loop3A_79, %broadcast_in_dim3A_11 : vector<16xi1>, vector<16xi32>
      %parallel_loop3A_81 = vector.shape_cast %parallel_loop3A_80 : vector<16xi32> to vector<16x1xi32>
      %parallel_loop3A_82 = vector.shape_cast %parallel_loop3A_81 : vector<16x1xi32> to vector<16xi32>
      %parallel_loop3A_83 = tpu.dynamic_gather %parallel_loop3A_73[%parallel_loop3A_82] in [0] : vector<16xf32>, vector<16xi32> -> vector<16xf32>
      %parallel_loop3A_84 = arith.constant 0 : i32
      %parallel_loop3A_85 = vector.broadcast %parallel_loop3A_84 : i32 to vector<16xi32>
      %parallel_loop3A_86 = arith.cmpi slt, %broadcast_in_dim3A_13, %parallel_loop3A_85 : vector<16xi32>
      %parallel_loop3A_87 = arith.constant 16 : i32
      %parallel_loop3A_88 = vector.broadcast %parallel_loop3A_87 : i32 to vector<16xi32>
      %parallel_loop3A_89 = arith.addi %broadcast_in_dim3A_13, %parallel_loop3A_88 : vector<16xi32>
      %parallel_loop3A_90 = arith.select %parallel_loop3A_86, %parallel_loop3A_89, %broadcast_in_dim3A_13 : vector<16xi1>, vector<16xi32>
      %parallel_loop3A_91 = vector.shape_cast %parallel_loop3A_90 : vector<16xi32> to vector<16x1xi32>
      %parallel_loop3A_92 = vector.shape_cast %parallel_loop3A_91 : vector<16x1xi32> to vector<16xi32>
      %parallel_loop3A_93 = tpu.dynamic_gather %parallel_loop3A_73[%parallel_loop3A_92] in [0] : vector<16xf32>, vector<16xi32> -> vector<16xf32>
      %parallel_loop3A_94 = arith.constant 3.906250e-03 : f32
      %parallel_loop3A_95 = vector.broadcast %parallel_loop3A_94 : f32 to vector<16xf32>
      %parallel_loop3A_96 = arith.mulf %parallel_loop3A_83, %parallel_loop3A_95 : vector<16xf32>
      %parallel_loop3A_97 = arith.constant 3.906250e-03 : f32
      %parallel_loop3A_98 = vector.broadcast %parallel_loop3A_97 : f32 to vector<16xf32>
      %parallel_loop3A_99 = arith.mulf %parallel_loop3A_93, %parallel_loop3A_98 : vector<16xf32>
      %parallel_loop3A_100 = arith.mulf %parallel_loop3A_96, %parallel_loop3A_96 : vector<16xf32>
      %parallel_loop3A_101 = arith.subf %parallel_loop3A_99, %parallel_loop3A_100 : vector<16xf32>
      %parallel_loop3A_102 = arith.constant 9.99999974E-6 : f32
      %parallel_loop3A_103 = vector.broadcast %parallel_loop3A_102 : f32 to vector<16xf32>
      %parallel_loop3A_104 = arith.addf %parallel_loop3A_101, %parallel_loop3A_103 : vector<16xf32>
      %parallel_loop3A_105 = vector.bitcast %parallel_loop3A_104 : vector<16xf32> to vector<16xi32>
      %parallel_loop3A_106 = arith.constant 1 : i32
      %parallel_loop3A_107 = vector.broadcast %parallel_loop3A_106 : i32 to vector<16xi32>
      %parallel_loop3A_108 = arith.shrsi %parallel_loop3A_105, %parallel_loop3A_107 : vector<16xi32>
      %parallel_loop3A_109 = arith.constant 1597463007 : i32
      %parallel_loop3A_110 = vector.broadcast %parallel_loop3A_109 : i32 to vector<16xi32>
      %parallel_loop3A_111 = arith.subi %parallel_loop3A_110, %parallel_loop3A_108 : vector<16xi32>
      %parallel_loop3A_112 = vector.bitcast %parallel_loop3A_111 : vector<16xi32> to vector<16xf32>
      %parallel_loop3A_113 = arith.constant 5.000000e-01 : f32
      %parallel_loop3A_114 = vector.broadcast %parallel_loop3A_113 : f32 to vector<16xf32>
      %parallel_loop3A_115 = arith.mulf %parallel_loop3A_114, %parallel_loop3A_104 : vector<16xf32>
      %parallel_loop3A_116 = arith.mulf %parallel_loop3A_115, %parallel_loop3A_112 : vector<16xf32>
      %parallel_loop3A_117 = arith.mulf %parallel_loop3A_116, %parallel_loop3A_112 : vector<16xf32>
      %parallel_loop3A_118 = arith.constant 1.500000e+00 : f32
      %parallel_loop3A_119 = vector.broadcast %parallel_loop3A_118 : f32 to vector<16xf32>
      %parallel_loop3A_120 = arith.subf %parallel_loop3A_119, %parallel_loop3A_117 : vector<16xf32>
      %parallel_loop3A_121 = arith.mulf %parallel_loop3A_112, %parallel_loop3A_120 : vector<16xf32>
      %parallel_loop3A_122 = arith.index_cast %parallel_loop3A_66 : i32 to index
      %parallel_loop3A_123 = arith.constant 0 : index
      %parallel_loop3A_124 = tpu.vector_load %arg9[%parallel_loop3A_122, %parallel_loop3A_123] {strides = array<i32>} : memref<80x32xf32, #tpu.memory_space<vmem>>, vector<16xf32>,
      %parallel_loop3A_125 = arith.index_cast %parallel_loop3A_66 : i32 to index
      %parallel_loop3A_126 = arith.constant 0 : index
      %parallel_loop3A_127 = tpu.vector_load %arg10[%parallel_loop3A_125, %parallel_loop3A_126] {strides = array<i32>} : memref<80x32xf32, #tpu.memory_space<vmem>>, vector<16xf32>,
      %parallel_loop3A_128 = arith.addf %parallel_loop3A_124, %parallel_loop3A_127 : vector<16xf32>
      %parallel_loop3A_129 = arith.mulf %parallel_loop3A_96, %get3A_6 : vector<16xf32>
      %parallel_loop3A_130 = arith.subf %parallel_loop3A_128, %parallel_loop3A_129 : vector<16xf32>
      %parallel_loop3A_131 = arith.mulf %parallel_loop3A_130, %parallel_loop3A_121 : vector<16xf32>
      %parallel_loop3A_132 = arith.addf %parallel_loop3A_131, %get3A_10 : vector<16xf32>
      %parallel_loop3A_133 = arith.constant 0.000000e+00 : f32
      %parallel_loop3A_134 = vector.broadcast %parallel_loop3A_133 : f32 to vector<16xf32>
      %parallel_loop3A_135 = arith.subf %parallel_loop3A_134, %parallel_loop3A_132 : vector<16xf32>
      %parallel_loop3A_136 = math.exp %parallel_loop3A_135 : vector<16xf32>
      %parallel_loop3A_137 = arith.constant 1.000000e+00 : f32
      %parallel_loop3A_138 = vector.broadcast %parallel_loop3A_137 : f32 to vector<16xf32>
      %parallel_loop3A_139 = arith.addf %parallel_loop3A_138, %parallel_loop3A_136 : vector<16xf32>
      %parallel_loop3A_140 = arith.constant 1.000000e+00 : f32
      %parallel_loop3A_141 = vector.broadcast %parallel_loop3A_140 : f32 to vector<16xf32>
      %parallel_loop3A_142 = arith.divf %parallel_loop3A_141, %parallel_loop3A_139 : vector<16xf32>
      %parallel_loop3A_143 = vector.broadcast %parallel_loop3A_66 : i32 to vector<16xi32>
      tpu.vector_store_idx %arg13[%iota3A, %parallel_loop3A_143], %parallel_loop3A_142 : memref<16x80xf32, #tpu.memory_space<vmem>>[vector<16xi32>, vector<16xi32>], vector<16xf32>,
    } {sc.loop_unroll_factor = 8 : i64, sc.parallel_access}
    %add3A_48 = arith.constant 9920 : i32
    %add3A_49 = arith.addi %mul3A_2, %add3A_48 : i32
    %dma_start3A_50 = arith.constant 0 : i32
    %dma_start3A_51 = tpu.memref_slice %arg6[%dma_start3A_50, %add3A_49] : memref<16x320000xf32, #tpu.memory_space<hbm>> -> memref<16x80xf32, #tpu.memory_space<hbm>>
    %dma_start3A_52 = arith.constant 0 : i32
    %dma_start3A_53 = tpu.memref_slice %arg6[%dma_start3A_52, %add3A_49] : memref<16x320000xf32, #tpu.memory_space<hbm>> -> memref<16x80xf32, #tpu.memory_space<hbm>>
    tpu.enqueue_dma source(%arg13 : memref<16x80xf32, #tpu.memory_space<vmem>>) target(%dma_start3A_53 : memref<16x80xf32, #tpu.memory_space<hbm>>) target_semaphore(%arg18 : memref<!tpu.dma_semaphore, #tpu.memory_space<semaphore_mem>>)
    %dma_wait3A_54 = arith.constant 0 : i32
    %dma_wait3A_55 = arith.constant 0 : i32
    %dma_wait3A_56 = tpu.memref_slice %arg6[%dma_wait3A_54, %dma_wait3A_55] : memref<16x320000xf32, #tpu.memory_space<hbm>> -> memref<16x80xf32, #tpu.memory_space<hbm>>
    %dma_wait3A_57 = arith.constant 0 : i32
    %dma_wait3A_58 = arith.constant 0 : i32
    %dma_wait3A_59 = tpu.memref_slice %arg6[%dma_wait3A_57, %dma_wait3A_58] : memref<16x320000xf32, #tpu.memory_space<hbm>> -> memref<16x80xf32, #tpu.memory_space<hbm>>
    tpu.wait_dma2 semaphore(%arg18 : memref<!tpu.dma_semaphore, #tpu.memory_space<semaphore_mem>>) src(%dma_wait3A_59 : memref<16x80xf32, #tpu.memory_space<hbm>>) dst(%arg13 : memref<16x80xf32, #tpu.memory_space<vmem>>)
    %dma_wait3A_60 = arith.constant 0 : i32
    %dma_wait3A_61 = arith.constant 0 : i32
    %dma_wait3A_62 = tpu.memref_slice %arg6[%dma_wait3A_60, %dma_wait3A_61] : memref<16x320000xf32, #tpu.memory_space<hbm>> -> memref<16x80xf32, #tpu.memory_space<hbm>>
    %dma_wait3A_63 = arith.constant 0 : i32
    %dma_wait3A_64 = arith.constant 0 : i32
    %dma_wait3A_65 = tpu.memref_slice %arg6[%dma_wait3A_63, %dma_wait3A_64] : memref<16x320000xf32, #tpu.memory_space<hbm>> -> memref<16x80xf32, #tpu.memory_space<hbm>>
    tpu.wait_dma2 semaphore(%arg19 : memref<!tpu.dma_semaphore, #tpu.memory_space<semaphore_mem>>) src(%dma_wait3A_65 : memref<16x80xf32, #tpu.memory_space<hbm>>) dst(%arg14 : memref<16x80xf32, #tpu.memory_space<vmem>>)
    return
  }
}

module attributes {stable_mosaic.version = 14 : i64} {
  func.func @_consts_body(%arg0: memref<256x16xf32, #tpu.memory_space<vmem>>, %arg1: memref<1x256xf32, #tpu.memory_space<vmem>>, %arg2: memref<1x256xf32, #tpu.memory_space<vmem>>, %arg3: memref<1x16xf32, #tpu.memory_space<vmem>>, %arg4: memref<2x16xf32, #tpu.memory_space<vmem>>) attributes {dimension_semantics = [], scalar_prefetch = 0 : i64, scratch_operands = 0 : i64, tpu.core_type = #tpu.core_type<tc>} {
    %get3A = arith.constant 0 : index
    %get3A_0 = arith.constant 0 : index
    %get3A_1 = vector.load %arg0[%get3A, %get3A_0] : memref<256x16xf32, #tpu.memory_space<vmem>>, vector<256x16xf32>
    %get3A_2 = arith.constant 0 : index
    %get3A_3 = arith.constant 0 : index
    %get3A_4 = vector.load %arg1[%get3A_2, %get3A_3] : memref<1x256xf32, #tpu.memory_space<vmem>>, vector<1x256xf32>
    %dot_general3A = arith.constant dense<0.000000e+00> : vector<1x16xf32>
    %dot_general3A_5 = tpu.matmul %get3A_4, %get3A_1, %dot_general3A {dimension_numbers = #tpu.dot_dimension_numbers<[1], [0], [0], [1], [0, 0, 1, 1], [], []>, transpose_lhs_hint = false} : vector<1x256xf32>, vector<256x16xf32>, vector<1x16xf32> -> vector<1x16xf32>
    %get3A_6 = arith.constant 0 : index
    %get3A_7 = arith.constant 0 : index
    %get3A_8 = vector.load %arg2[%get3A_6, %get3A_7] : memref<1x256xf32, #tpu.memory_space<vmem>>, vector<1x256xf32>
    %dot_general3A_9 = arith.constant dense<0.000000e+00> : vector<1x16xf32>
    %dot_general3A_10 = tpu.matmul %get3A_8, %get3A_1, %dot_general3A_9 {dimension_numbers = #tpu.dot_dimension_numbers<[1], [0], [0], [1], [0, 0, 1, 1], [], []>, transpose_lhs_hint = false} : vector<1x256xf32>, vector<256x16xf32>, vector<1x16xf32> -> vector<1x16xf32>
    %get3A_11 = arith.constant 0 : index
    %get3A_12 = arith.constant 0 : index
    %get3A_13 = vector.load %arg3[%get3A_11, %get3A_12] : memref<1x16xf32, #tpu.memory_space<vmem>>, vector<1x16xf32>
    %add3A = arith.addf %dot_general3A_10, %get3A_13 : vector<1x16xf32>
    %concatenate3A = tpu.concatenate %dot_general3A_5, %add3A in 0 : vector<1x16xf32>, vector<1x16xf32> -> vector<2x16xf32>
    %swap3A = arith.constant 0 : index
    %swap3A_14 = arith.constant 0 : index
    %swap3A_15 = vector.load %arg4[%swap3A, %swap3A_14] : memref<2x16xf32, #tpu.memory_space<vmem>>, vector<2x16xf32>
    tpu.vector_store %arg4[%swap3A, %swap3A_14], %concatenate3A {strides = array<i32>} : memref<2x16xf32, #tpu.memory_space<vmem>>, vector<2x16xf32>,
    return
  }
}

module attributes {stable_mosaic.version = 14 : i64} {
  func.func @_pack_body(%arg0: i32, %arg1: memref<4000x128xf32, #tpu.memory_space<vmem>>, %arg2: memref<128x16xf32, #tpu.memory_space<vmem>>, %arg3: memref<128x1xf32, #tpu.memory_space<vmem>>, %arg4: memref<1000x32xf32, #tpu.memory_space<vmem>>) attributes {dimension_semantics = [#tpu.dimension_semantics<arbitrary>], iteration_bounds = array<i64: 5>, scalar_prefetch = 0 : i64, scratch_operands = 0 : i64, tpu.core_type = #tpu.core_type<tc>, window_params = [{transform_indices = @transform_0, window_bounds = array<i64: 4000, 128>}, {pipeline_mode = #tpu.pipeline_mode<synchronous>, transform_indices = @transform_1, window_bounds = array<i64: 128, 16>}, {pipeline_mode = #tpu.pipeline_mode<synchronous>, transform_indices = @transform_2, window_bounds = array<i64: 128, 1>}, {transform_indices = @transform_3, window_bounds = array<i64: 1000, 32>}]} {
    %get3A = arith.constant 0 : index
    %get3A_0 = arith.constant 0 : index
    %get3A_1 = vector.load %arg1[%get3A, %get3A_0] : memref<4000x128xf32, #tpu.memory_space<vmem>>, vector<4000x128xf32>
    %reshape3A = vector.shape_cast %get3A_1 : vector<4000x128xf32> to vector<1000x4x128xf32>
    %slice3A = vector.extract_strided_slice %reshape3A {offsets = [0, 0, 0], sizes = [1000, 1, 128], strides = [1, 1, 1]} : vector<1000x4x128xf32> to vector<1000x1x128xf32>
    %squeeze3A = vector.shape_cast %slice3A : vector<1000x1x128xf32> to vector<1000x128xf32>
    %slice3A_2 = vector.extract_strided_slice %reshape3A {offsets = [0, 1, 0], sizes = [1000, 1, 128], strides = [1, 1, 1]} : vector<1000x4x128xf32> to vector<1000x1x128xf32>
    %squeeze3A_3 = vector.shape_cast %slice3A_2 : vector<1000x1x128xf32> to vector<1000x128xf32>
    %add3A = arith.addf %squeeze3A, %squeeze3A_3 : vector<1000x128xf32>
    %slice3A_4 = vector.extract_strided_slice %reshape3A {offsets = [0, 2, 0], sizes = [1000, 1, 128], strides = [1, 1, 1]} : vector<1000x4x128xf32> to vector<1000x1x128xf32>
    %squeeze3A_5 = vector.shape_cast %slice3A_4 : vector<1000x1x128xf32> to vector<1000x128xf32>
    %add3A_6 = arith.addf %add3A, %squeeze3A_5 : vector<1000x128xf32>
    %slice3A_7 = vector.extract_strided_slice %reshape3A {offsets = [0, 3, 0], sizes = [1000, 1, 128], strides = [1, 1, 1]} : vector<1000x4x128xf32> to vector<1000x1x128xf32>
    %squeeze3A_8 = vector.shape_cast %slice3A_7 : vector<1000x1x128xf32> to vector<1000x128xf32>
    %add3A_9 = arith.addf %add3A_6, %squeeze3A_8 : vector<1000x128xf32>
    %mul3A = arith.constant 2.500000e-01 : f32
    %mul3A_10 = vector.broadcast %mul3A : f32 to vector<1000x128xf32>
    %mul3A_11 = arith.mulf %add3A_9, %mul3A_10 : vector<1000x128xf32>
    %get3A_12 = arith.constant 0 : index
    %get3A_13 = arith.constant 0 : index
    %get3A_14 = vector.load %arg2[%get3A_12, %get3A_13] : memref<128x16xf32, #tpu.memory_space<vmem>>, vector<128x16xf32>
    %get3A_15 = arith.constant 0 : index
    %get3A_16 = arith.constant 0 : index
    %get3A_17 = vector.load %arg3[%get3A_15, %get3A_16] : memref<128x1xf32, #tpu.memory_space<vmem>>, vector<128x1xf32>
    %mul3A_18 = vector.broadcast %get3A_17 : vector<128x1xf32> to vector<128x16xf32>
    %mul3A_19 = arith.mulf %get3A_14, %mul3A_18 : vector<128x16xf32>
    %dot_general3A = arith.constant dense<0.000000e+00> : vector<1000x16xf32>
    %dot_general3A_20 = tpu.matmul %mul3A_11, %mul3A_19, %dot_general3A {dimension_numbers = #tpu.dot_dimension_numbers<[1], [0], [0], [1], [0, 0, 1, 1], [], []>, transpose_lhs_hint = false} : vector<1000x128xf32>, vector<128x16xf32>, vector<1000x16xf32> -> vector<1000x16xf32>
    %reduce_sum3A = arith.constant dense<0.000000e+00> : vector<1000xf32>
    %reduce_sum3A_21 = vector.multi_reduction <add>, %mul3A_11, %reduce_sum3A [1] : vector<1000x128xf32> to vector<1000xf32>
    %broadcast_in_dim3A = vector.shape_cast %reduce_sum3A_21 : vector<1000xf32> to vector<1000x1xf32>
    %mul3A_22 = arith.mulf %mul3A_11, %mul3A_11 : vector<1000x128xf32>
    %reduce_sum3A_23 = arith.constant dense<0.000000e+00> : vector<1000xf32>
    %reduce_sum3A_24 = vector.multi_reduction <add>, %mul3A_22, %reduce_sum3A_23 [1] : vector<1000x128xf32> to vector<1000xf32>
    %broadcast_in_dim3A_25 = vector.shape_cast %reduce_sum3A_24 : vector<1000xf32> to vector<1000x1xf32>
    %broadcast_in_dim3A_26 = arith.constant 0.000000e+00 : f32
    %broadcast_in_dim3A_27 = vector.broadcast %broadcast_in_dim3A_26 : f32 to vector<1000x14xf32>
    %concatenate3A = tpu.concatenate %dot_general3A_20, %broadcast_in_dim3A, %broadcast_in_dim3A_25, %broadcast_in_dim3A_27 in 1 : vector<1000x16xf32>, vector<1000x1xf32>, vector<1000x1xf32>, vector<1000x14xf32> -> vector<1000x32xf32>
    %swap3A = arith.constant 0 : index
    %swap3A_28 = arith.constant 0 : index
    %swap3A_29 = vector.load %arg4[%swap3A, %swap3A_28] : memref<1000x32xf32, #tpu.memory_space<vmem>>, vector<1000x32xf32>
    tpu.vector_store %arg4[%swap3A, %swap3A_28], %concatenate3A {strides = array<i32>} : memref<1000x32xf32, #tpu.memory_space<vmem>>, vector<1000x32xf32>,
    return
  }
  func.func @transform_0(%arg0: i32) -> (i32, i32) {
    %c0_i32 = arith.constant 0 : i32
    %c0_i32_0 = arith.constant 0 : i32
    return %arg0, %c0_i32 : i32, i32
  }
  func.func @transform_1(%arg0: i32) -> (i32, i32) {
    %c0_i32 = arith.constant 0 : i32
    %c0_i32_0 = arith.constant 0 : i32
    %c0_i32_1 = arith.constant 0 : i32
    return %c0_i32, %c0_i32_0 : i32, i32
  }
  func.func @transform_2(%arg0: i32) -> (i32, i32) {
    %c0_i32 = arith.constant 0 : i32
    %c0_i32_0 = arith.constant 0 : i32
    %c0_i32_1 = arith.constant 0 : i32
    return %c0_i32, %c0_i32_0 : i32, i32
  }
  func.func @transform_3(%arg0: i32) -> (i32, i32) {
    %c0_i32 = arith.constant 0 : i32
    %c0_i32_0 = arith.constant 0 : i32
    return %arg0, %c0_i32 : i32, i32
  }
}

module attributes {stable_mosaic.version = 14 : i64} {
  func.func @_pack_body(%arg0: i32, %arg1: memref<8000x128xf32, #tpu.memory_space<vmem>>, %arg2: memref<128x16xf32, #tpu.memory_space<vmem>>, %arg3: memref<128x1xf32, #tpu.memory_space<vmem>>, %arg4: memref<2000x32xf32, #tpu.memory_space<vmem>>) attributes {dimension_semantics = [#tpu.dimension_semantics<arbitrary>], iteration_bounds = array<i64: 5>, scalar_prefetch = 0 : i64, scratch_operands = 0 : i64, tpu.core_type = #tpu.core_type<tc>, window_params = [{transform_indices = @transform_0, window_bounds = array<i64: 8000, 128>}, {pipeline_mode = #tpu.pipeline_mode<synchronous>, transform_indices = @transform_1, window_bounds = array<i64: 128, 16>}, {pipeline_mode = #tpu.pipeline_mode<synchronous>, transform_indices = @transform_2, window_bounds = array<i64: 128, 1>}, {transform_indices = @transform_3, window_bounds = array<i64: 2000, 32>}]} {
    %get3A = arith.constant 0 : index
    %get3A_0 = arith.constant 0 : index
    %get3A_1 = vector.load %arg1[%get3A, %get3A_0] : memref<8000x128xf32, #tpu.memory_space<vmem>>, vector<8000x128xf32>
    %reshape3A = vector.shape_cast %get3A_1 : vector<8000x128xf32> to vector<2000x4x128xf32>
    %slice3A = vector.extract_strided_slice %reshape3A {offsets = [0, 0, 0], sizes = [2000, 1, 128], strides = [1, 1, 1]} : vector<2000x4x128xf32> to vector<2000x1x128xf32>
    %squeeze3A = vector.shape_cast %slice3A : vector<2000x1x128xf32> to vector<2000x128xf32>
    %slice3A_2 = vector.extract_strided_slice %reshape3A {offsets = [0, 1, 0], sizes = [2000, 1, 128], strides = [1, 1, 1]} : vector<2000x4x128xf32> to vector<2000x1x128xf32>
    %squeeze3A_3 = vector.shape_cast %slice3A_2 : vector<2000x1x128xf32> to vector<2000x128xf32>
    %add3A = arith.addf %squeeze3A, %squeeze3A_3 : vector<2000x128xf32>
    %slice3A_4 = vector.extract_strided_slice %reshape3A {offsets = [0, 2, 0], sizes = [2000, 1, 128], strides = [1, 1, 1]} : vector<2000x4x128xf32> to vector<2000x1x128xf32>
    %squeeze3A_5 = vector.shape_cast %slice3A_4 : vector<2000x1x128xf32> to vector<2000x128xf32>
    %add3A_6 = arith.addf %add3A, %squeeze3A_5 : vector<2000x128xf32>
    %slice3A_7 = vector.extract_strided_slice %reshape3A {offsets = [0, 3, 0], sizes = [2000, 1, 128], strides = [1, 1, 1]} : vector<2000x4x128xf32> to vector<2000x1x128xf32>
    %squeeze3A_8 = vector.shape_cast %slice3A_7 : vector<2000x1x128xf32> to vector<2000x128xf32>
    %add3A_9 = arith.addf %add3A_6, %squeeze3A_8 : vector<2000x128xf32>
    %mul3A = arith.constant 2.500000e-01 : f32
    %mul3A_10 = vector.broadcast %mul3A : f32 to vector<2000x128xf32>
    %mul3A_11 = arith.mulf %add3A_9, %mul3A_10 : vector<2000x128xf32>
    %get3A_12 = arith.constant 0 : index
    %get3A_13 = arith.constant 0 : index
    %get3A_14 = vector.load %arg2[%get3A_12, %get3A_13] : memref<128x16xf32, #tpu.memory_space<vmem>>, vector<128x16xf32>
    %get3A_15 = arith.constant 0 : index
    %get3A_16 = arith.constant 0 : index
    %get3A_17 = vector.load %arg3[%get3A_15, %get3A_16] : memref<128x1xf32, #tpu.memory_space<vmem>>, vector<128x1xf32>
    %mul3A_18 = vector.broadcast %get3A_17 : vector<128x1xf32> to vector<128x16xf32>
    %mul3A_19 = arith.mulf %get3A_14, %mul3A_18 : vector<128x16xf32>
    %dot_general3A = arith.constant dense<0.000000e+00> : vector<2000x16xf32>
    %dot_general3A_20 = tpu.matmul %mul3A_11, %mul3A_19, %dot_general3A {dimension_numbers = #tpu.dot_dimension_numbers<[1], [0], [0], [1], [0, 0, 1, 1], [], []>, transpose_lhs_hint = false} : vector<2000x128xf32>, vector<128x16xf32>, vector<2000x16xf32> -> vector<2000x16xf32>
    %reduce_sum3A = arith.constant dense<0.000000e+00> : vector<2000xf32>
    %reduce_sum3A_21 = vector.multi_reduction <add>, %mul3A_11, %reduce_sum3A [1] : vector<2000x128xf32> to vector<2000xf32>
    %broadcast_in_dim3A = vector.shape_cast %reduce_sum3A_21 : vector<2000xf32> to vector<2000x1xf32>
    %mul3A_22 = arith.mulf %mul3A_11, %mul3A_11 : vector<2000x128xf32>
    %reduce_sum3A_23 = arith.constant dense<0.000000e+00> : vector<2000xf32>
    %reduce_sum3A_24 = vector.multi_reduction <add>, %mul3A_22, %reduce_sum3A_23 [1] : vector<2000x128xf32> to vector<2000xf32>
    %broadcast_in_dim3A_25 = vector.shape_cast %reduce_sum3A_24 : vector<2000xf32> to vector<2000x1xf32>
    %broadcast_in_dim3A_26 = arith.constant 0.000000e+00 : f32
    %broadcast_in_dim3A_27 = vector.broadcast %broadcast_in_dim3A_26 : f32 to vector<2000x14xf32>
    %concatenate3A = tpu.concatenate %dot_general3A_20, %broadcast_in_dim3A, %broadcast_in_dim3A_25, %broadcast_in_dim3A_27 in 1 : vector<2000x16xf32>, vector<2000x1xf32>, vector<2000x1xf32>, vector<2000x14xf32> -> vector<2000x32xf32>
    %swap3A = arith.constant 0 : index
    %swap3A_28 = arith.constant 0 : index
    %swap3A_29 = vector.load %arg4[%swap3A, %swap3A_28] : memref<2000x32xf32, #tpu.memory_space<vmem>>, vector<2000x32xf32>
    tpu.vector_store %arg4[%swap3A, %swap3A_28], %concatenate3A {strides = array<i32>} : memref<2000x32xf32, #tpu.memory_space<vmem>>, vector<2000x32xf32>,
    return
  }
  func.func @transform_0(%arg0: i32) -> (i32, i32) {
    %c0_i32 = arith.constant 0 : i32
    %c0_i32_0 = arith.constant 0 : i32
    return %arg0, %c0_i32 : i32, i32
  }
  func.func @transform_1(%arg0: i32) -> (i32, i32) {
    %c0_i32 = arith.constant 0 : i32
    %c0_i32_0 = arith.constant 0 : i32
    %c0_i32_1 = arith.constant 0 : i32
    return %c0_i32, %c0_i32_0 : i32, i32
  }
  func.func @transform_2(%arg0: i32) -> (i32, i32) {
    %c0_i32 = arith.constant 0 : i32
    %c0_i32_0 = arith.constant 0 : i32
    %c0_i32_1 = arith.constant 0 : i32
    return %c0_i32, %c0_i32_0 : i32, i32
  }
  func.func @transform_3(%arg0: i32) -> (i32, i32) {
    %c0_i32 = arith.constant 0 : i32
    %c0_i32_0 = arith.constant 0 : i32
    return %arg0, %c0_i32 : i32, i32
  }
}

</mosaic_0001>

<sc_bundles>
// kernel: kernel.6.cloned.1.call-start
scs
__scs_entry_jumppad:
0x0: {  	(pc) =	sbr.rel $0x88, $3  }
0x1: {  	(tag) =	ssettag $0x0;
	lr =	simm.s32 $0x1  }
0x2: {  	[smem:$0x3F9A] =	sst lr;
	_ =	strace $0xD0000000  }
0x3: {  	_ = 	snop  }
0x4: {  	_ = 	snop  }
0x5: {  	_ = 	snop  }
0x6: {  	_ = 	snop  }
0x7: {  	_ = 	snop  }
__scs_overlays_trampoline_lowered:
0x8: {  	[smem:$0x3FA9] =	sst s0  }
0x9: {  	[smem:$0x3FAA] =	sst s1  }
0xa: {  	[smem:$0x3FAB] =	sst s2  }
0xb: {  	[smem:$0x3FAC] =	sst s3  }
0xc: {  	[smem:$0x3FAD] =	sst s4  }
0xd: {  	[smem:$0x3FAE] =	sst s5  }
0xe: {  	[smem:$0x3FAF] =	sst s6  }
0xf: {  	[smem:$0x3FB0] =	sst s7  }
0x10: {  	[smem:$0x3FB1] =	sst s8  }
0x11: {  	[smem:$0x3FB2] =	sst s9;
	s0 =	simm.s32 @!p0 $0x0  }
0x12: {  	s1 =	sld [smem:$0x3F98];
	s0 =	simm.s32 @p0 $0x1  }
0x13: {  	[smem:$0x3FB3] =	sst s0;
	s0 =	simm.s32 @!p1 $0x0  }
0x14: {  	s2 =	sld [smem:$0x3F97];
	s0 =	simm.s32 @p1 $0x1  }
0x15: {  	[smem:$0x3FB4] =	sst s0;
	s0 =	simm.s32 @!p2 $0x0  }
0x16: {  	s3 =	sld [smem:$0x3FDB];
	s0 =	simm.s32 @p2 $0x1  }
0x17: {  	s4 =	simm.s32 $0x1BF5;
	[smem:$0x3FB6] =	sst s0  }
0x18: {  	s0 =	sld [smem:$0x3F99];
	_ =	swait.ge [sflag:s4], $0x0  }
0x19: {  	s7 =	sld [smem:$0x3F9A]  }
0x1a: {  	s8 =	sadd.s32 $0xFFFFE003, lr  }
0x1b: {  	s9 =	sadd.s32 $0xFFFFFEF7, lr;
	s5 =	simm.s32 $0xFFFFFFFF;
	p2 =	slt.u32 s8, $0xFFFFF086  }
0x1c: {  	p1 =	slt.u32 s9, $0xF7A;
	s5 =	simm.s32 @!p2 $0x0  }
0x1d: {  	s5 =	simm.s32 @p1 $0x1;
	p0 =	seq.s32 s7, s2  }
0x1e: {  	s7 =	smul.u32 @!p0 $0xF7A, s2;
	p2 =	seq.s32 @!p0 s5, $0x0  }
0x1f: {  	s9 =	smul.u32 $0xF7A, s1;
	s8 =	simm.s32 @!p0 $0x1BF5;
	p2 =	por !p2, p0  }
0x20: {  	[sflag:s8] =	ssyncset.s32 @!p0 $0xFFFFF086;
	s6 =	sadd.s32 @!p0 s3, s7;
	s7 =	simm.s32 @!p0 $0x108  }
0x21: {  	s3 =	sadd.s32 s3, s9;
	s6 =	sadd.s32 @!p0 $0x88, s6;
	s7 =	simm.s32 @p2 $0x1082  }
0x22: {  	[simem:s7], [sflag:s8] =	dma.local @!p0 [hbm:s6], $0xF7A  }
0x23: {  	s9 =	sor.u32 $0xD0000000, s2;
	s6 =	simm.s32 $0x108;
	_ =	swait.ge @!p0 [sflag:s8], $0x0  }
0x24: {  	s3 =	sadd.s32 $0x88, s3;
	s6 =	simm.s32 @!p1 $0x1082;
	[sflag:s4] =	ssyncset.s32 $0xFFFFF086  }
0x25: {  	[simem:s6], [sflag:s4] =	dma.local [hbm:s3], $0xF7A  }
0x26: {  	[smem:$0x3F9A] =	sst s1;
	(tag) =	ssettag s2;
	_ =	strace s9  }
0x27: {  	s1 =	sld [smem:$0x3FAA]  }
0x28: {  	s2 =	sld [smem:$0x3FAB]  }
0x29: {  	s4 =	sld [smem:$0x3FAD]  }
0x2a: {  	p0 =	seq.s32 s5, $0x0;
	s5 =	sld [smem:$0x3FAE]  }
0x2b: {  	s6 =	sld [smem:$0x3FAF]  }
0x2c: {  	s7 =	sld [smem:$0x3FB0]  }
0x2d: {  	s3 =	simm.s32 $0x108;
	s8 =	sld [smem:$0x3FB1]  }
0x2e: {  	s3 =	simm.s32 @!p0 $0x1082;
	s9 =	sld [smem:$0x3FB2]  }
0x2f: {  	lr =	sadd.s32 s0, s3;
	s0 =	sld [smem:$0x3FA9]  }
0x30: {  	s3 =	sld [smem:$0x3FAC]  }
0x31: {  	[smem:$0x3FB5] =	sst s10  }
0x32: {  	s10 =	sld [smem:$0x3FB3];
	_ =	sdelay $0x3  }
0x33: {  	p0 =	seq.s32 s10, $0x1;
	s10 =	sld [smem:$0x3FB5];
	_ =	sdelay $0x3  }
0x34: {  	[smem:$0x3FB5] =	sst s10  }
0x35: {  	s10 =	sld [smem:$0x3FB4];
	_ =	sdelay $0x3  }
0x36: {  	p1 =	seq.s32 s10, $0x1;
	s10 =	sld [smem:$0x3FB5];
	_ =	sdelay $0x3  }
0x37: {  	[smem:$0x3FB5] =	sst s10  }
0x38: {  	s10 =	sld [smem:$0x3FB6]  }
0x39: {  	_ = 	snop;
	(pc) =	sbr.ind lr, $3  }
0x3a: {  	_ = 	snop  }
0x3b: {  	_ = 	snop  }
0x3c: {  	p2 =	seq.s32 s10, $0x1;
	s10 =	sld [smem:$0x3FB5]  }
0x3d: {  	_ =	shalt  }
0x3e: {  	_ =	shalt  }
0x3f: {  	_ =	shalt  }
0x40: {  	_ =	shalt  }
0x41: {  	_ =	shalt  }
0x42: {  	_ =	shalt  }
0x43: {  	_ =	shalt  }
0x44: {  	_ =	shalt  }
0x45: {  	_ =	shalt  }
0x46: {  	_ =	shalt  }
0x47: {  	_ =	shalt  }
0x48: {  	_ =	shalt  }
0x49: {  	_ =	shalt  }
0x4a: {  	_ =	shalt  }
0x4b: {  	_ =	shalt  }
0x4c: {  	_ =	shalt  }
0x4d: {  	_ =	shalt  }
0x4e: {  	_ =	shalt  }
0x4f: {  	_ =	shalt  }
0x50: {  	_ =	shalt  }
0x51: {  	_ =	shalt  }
0x52: {  	_ =	shalt  }
0x53: {  	_ =	shalt  }
0x54: {  	_ =	shalt  }
0x55: {  	_ =	shalt  }
0x56: {  	_ =	shalt  }
0x57: {  	_ =	shalt  }
0x58: {  	_ =	shalt  }
0x59: {  	_ =	shalt  }
0x5a: {  	_ =	shalt  }
0x5b: {  	_ =	shalt  }
0x5c: {  	_ =	shalt  }
0x5d: {  	_ =	shalt  }
0x5e: {  	_ =	shalt  }
0x5f: {  	_ =	shalt  }
0x60: {  	_ =	shalt  }
0x61: {  	_ =	shalt  }
0x62: {  	_ =	shalt  }
0x63: {  	_ =	shalt  }
0x64: {  	_ =	shalt  }
0x65: {  	_ =	shalt  }
0x66: {  	_ =	shalt  }
0x67: {  	_ =	shalt  }
0x68: {  	_ =	shalt  }
0x69: {  	_ =	shalt  }
0x6a: {  	_ =	shalt  }
0x6b: {  	_ =	shalt  }
0x6c: {  	_ =	shalt  }
0x6d: {  	_ =	shalt  }
0x6e: {  	_ =	shalt  }
0x6f: {  	_ =	shalt  }
0x70: {  	_ =	shalt  }
0x71: {  	_ =	shalt  }
0x72: {  	_ =	shalt  }
0x73: {  	_ =	shalt  }
0x74: {  	_ =	shalt  }
0x75: {  	_ =	shalt  }
0x76: {  	_ =	shalt  }
0x77: {  	_ =	shalt  }
0x78: {  	_ =	shalt  }
0x79: {  	_ =	shalt  }
0x7a: {  	_ =	shalt  }
0x7b: {  	_ =	shalt  }
0x7c: {  	_ =	shalt  }
0x7d: {  	_ =	shalt  }
0x7e: {  	_ =	shalt  }
0x7f: {  	_ =	shalt  }
0x80: {  	_ =	shalt  }
0x81: {  	_ =	shalt  }
0x82: {  	_ =	shalt  }
0x83: {  	_ =	shalt  }
0x84: {  	_ =	shalt  }
0x85: {  	_ =	shalt  }
0x86: {  	_ =	shalt  }
0x87: {  	_ =	shalt  }
.Lfunc_end0:
.L_simem_size_0:
called_computation_lowered:
.L_overlay_start_0:
0x88: {  	s2 =	sld [smem:$0x3FD9]  }
0x89: {  	s3 =	sld [smem:$0x3FFE];
	_ =	sdelay $0x1  }
0x8a: {  	s1 =	srdreg.scid  }
0x8b: {  	s0 =	sand.u32 $0x1, s1  }
0x8c: {  	s17 =	sshll.u32 s0, $0xA;
	s2 =	sadd.s32 s3, s2  }
0x8d: {  	s2 =	sadd.s32 s2, s17  }
0x8e: {  	[smem:$0x3FC1] =	sst s2  }
0x8f: {  	_ = 	snop  }
0x90: {  	s2 =	sld [smem:$0x3FD0];
	(tm) =	ssettm $0x1  }
0x91: {  	s18 =	sld [smem:$0x3FFB];
	_ =	sdelay $0x3  }
0x92: {  	_ =	strace s18  }
0x93: {  	s3 =	sld [smem:$0x3FFC];
	_ =	sdelay $0x3  }
0x94: {  	_ =	strace s3  }
0x95: {  	s3 =	sld [smem:$0x3FFD];
	_ =	sdelay $0x3  }
0x96: {  	_ =	strace s3  }
0x97: {  	_ =	strace $0x8FFFFFFF  }
0x98: {  	s19 =	sld [smem:$0x3FDB];
	_ =	sdelay $0x1  }
0x99: {  	s4 =	simm.s32 $_scs_section_size  }
0x9a: {  	s5 =	simm.s32 $_size__tile_overlayer_lowered;
	s6 =	simm.s32 $_tile_overlayer_lowered  }
0x9b: {  	s22 =	simm.s32 $0x1BFF;
	s21 =	sshll.u32 s6, $0x1;
	s3 =	sadd.s32 s4, s19  }
0x9c: {  	s7 =	simm.s32 $0x0;
	s20 =	sshll.u32 s5, $0x1;
	s5 =	sadd.s32 s21, s3  }
0x9d: {  	[timem:s7], [sflag:s22] =	dma.local [hbm:s5], s20  }
0x9e: {  	_ =	swait.ge [sflag:s22], s20  }
0x9f: {  	s4 =	ssub.s32 $0x0, s20;
	[sflag:s22] =	ssyncset.done $0x0  }
0xa0: {  	[sflag:s22] =	ssyncadd.s32 s4;
	_ =	sdelay $0x1  }
0xa1: {  	s23 =	simm.s32 $0x1B8B  }
0xa2: {  	_ =	swait.ge [sflag:s23], $0x1  }
0xa3: {  	[sflag:s23] =	ssyncset.done $0x0  }
0xa4: {  	s25 =	simm.s32 $0x1B8E;
	s24 =	sld [smem:$0x3FFE];
	[sflag:s23] =	ssyncadd.s32 $0xFFFFFFFF  }
0xa5: {  	s26 =	simm.s32 $execute0_lowered;
	[smem:$0x3FD2] =	sst s25  }
0xa6: {  	s5 =	sshll.u32 s26, $0x1;
	_ =	strace $0x80000046;
	[dreg:$0x1] =	wrdreg $0xFFFFFFFF  }
0xa7: {  	s28 =	simm.s32 $_size_execute0_lowered;
	s3 =	sadd.s32 s3, s5;
	[dreg:$0x0] =	wrdreg $0x0  }
0xa8: {  	s5 =	sshll.u32 s28, $0x1;
	[dreg:$0x2] =	wrdreg s3  }
0xa9: {  	[dreg:$0x3] =	wrdreg s5  }
0xaa: {  	[dreg:$0x4] =	wrdreg $0xC0  }
0xab: {  	_ =	task [dreg:s7], $0x5FFFF  }
0xac: {  	[dreg:$0x1] =	wrdreg $0xFFFFFFFF  }
0xad: {  	[dreg:$0x0] =	wrdreg $0x60  }
0xae: {  	[dreg:$0x2] =	wrdreg s24  }
0xaf: {  	[dreg:$0x3] =	wrdreg s2  }
0xb0: {  	[dreg:$0x4] =	wrdreg $0x9  }
0xb1: {  	_ =	task.clear_ibuf [dreg:s7], $0x5FFFF;
	_ =	strace $0x90000046  }
0xb2: {  	s29 =	simm.s32 $0x9;
	_ =	strace $0x80000048  }
0xb3: {  	_ =	swait.ge [sflag:s29], $0x1  }
0xb4: {  	[sflag:s29] =	ssyncadd.s32 $0xFFFFFFFF  }
0xb5: {  	_ =	strace $0x90000048  }
0xb6: {  	_ =	sfence  }
0xb7: {  	s30 =	sld [smem:$0x0];
	_ =	sdelay $0x2  }
0xb8: {  	s31 =	sshll.u32 s1, $0xD;
	s1 =	sshrl.u32 s1, $0x2  }
0xb9: {  	s3 =	sand.u32 $0x4000, s31;
	s1 =	sadd.s32 s1, s30  }
0xba: {  	s0 =	sor.u32 s3, s0;
	s1 =	sshll.u32 s1, $0x11  }
0xbb: {  	s0 =	sor.u32 s1, s0  }
0xbc: {  	s0 =	sadd.s32 $0x8F2B, s0  }
0xbd: {  	[sflag:s0] =	ssyncadd.remote.s32 $0x1  }
0xbe: {  	_ =	sfence.sel $0xFFFF  }
0xbf: {  	[dreg:$0x0] =	wrdreg $0xFFFFFFFF;
	(pc) =	sbr.abs _section_cstart, $3  }
0xc0: {  	[dreg:$0x1] =	wrdreg $0xFFFFFFFF  }
0xc1: {  	_ =	task.clear_ibuf [dreg:s7], $0x2FFFF;
	_ =	strace $0x9FFFFFFF  }
0xc2: {  	(tm) =	ssettm $0x7FFFFFFF  }
0xc3: {  	_ =	shalt  }
tec
execute0_lowered:
.L_overlay_start_1:
0x0: {  	(tag) =	ssettag $0x1  }
0x1: {  	s0 =	rddreg [dreg:$0x0];
	s1 =	srdreg.scid  }
0x2: {  	s2 =	stileid.u32;
	s8 =	rddreg [dreg:$0x1]  }
0x3: {  	s13 =	simm.s32 $0x5;
	s15 =	simm.s32 $0x50;
	s16 =	simm.s32 $0x4E20  }
0x4: {  	s17 =	simm.s32 $0x5820;
	s18 =	simm.s32 $0x6220;
	s19 =	simm.s32 $0x6C20  }
0x5: {  	s20 =	simm.s32 $0x1;
	s21 =	simm.s32 $0x7620;
	s22 =	simm.s32 $0x4E200  }
0x6: {  	s23 =	simm.s32 $0x2;
	s24 =	simm.s32 $0x7B20;
	s25 =	simm.s32 $0x3  }
0x7: {  	s26 =	simm.s32 $0x4;
	s1 =	sand.u32 $0x1, s1;
	s3 =	sshll.u32 s2, $0x1  }
0x8: {  	s28 =	simm.s32 $0x0;
	s2 =	simm.s32 $0x0;
	s3 =	sor.u32 s1, s3  }
0x9: {  	v0 =	vlaneseq.u32;
	s4 =	sadd.s32 $0x6400, s0;
	s5 =	sadd.s32 $0x1400, s0;
	s3 =	smul.u32 $0x2710, s3  }
0xa: {  	s6 =	sadd.s32 $0x1200, s0;
	s7 =	sadd.s32 $0x10200, s0;
	v0 =	vmul.u32 $0x50, v0;
	[smem:$0x7FF] =	sst s2  }
0xb: {  	v1 =	vimm.s32 $0x0;
	vm0 =	vcmask $0x300;
	s1 =	ssub.s32 $0x2, s1;
	_ =	strace $0x80000047;
	s10 =	sshrl.u32 s3, $0x3  }
0xc: {  	v2 =	vimm.s32 $0x1;
	v3 =	vsel vm0, $0x3, v1;
	[dreg:$0x3] =	wrdreg s6;
	s29 =	sshrl.u32 s1, $0x1;
	v4 =	vor.u32 $0x1, v0;
	s8 =	sadd.s32 s8, s10  }
0xd: {  	v5 =	vor.u32 $0x2, v0;
	v6 =	vor.u32 $0x3, v0;
	v7 =	vor.u32 $0x4, v0;
	s0 =	ssub.s32 s1, s29;
	s31 =	sadd.s32 s7, s10;
	s30 =	sadd.s32 $0x9C40, s8  }
0xe: {  	v8 =	vor.u32 $0x5, v0;
	v9 =	vor.u32 $0x6, v0;
	v10 =	vor.u32 $0x7, v0;
	s11 =	smax.u32 s0, $0x1;
	s10 =	sadd.s32 $0x4D8, s31;
	[dreg:$0x4] =	wrdreg s30  }
.LBB2_1:
0xf: {  	s0 =	rddreg [dreg:$0x3];
	s1 =	simm.s32 $0x8020  }
0x10: {  	[tilespmem:s1], [sflag:$0x5] =	stream.linear.gather [hbm4b:s0+s2], $0x20, $0x38;
	[tilespmem:$0x8040] =	vst v63  }
0x11: {  	_ =	swait.ge [sflag:s13], $0x20  }
0x12: {  	[sflag:s13] =	ssyncset.done $0x0  }
0x13: {  	[sflag:s13] =	ssyncadd.s32 $0xFFFFFFE0  }
0x14: {  	[tilespmem:s2], [sflag:$0x5] =	stream.linear.gather [hbm4b:s8+s2], $0x2710, $0x38;
	[tilespmem:$0x8040] =	vst v63  }
0x15: {  	_ =	swait.ge [sflag:s13], $0x2710  }
0x16: {  	[sflag:s13] =	ssyncset.done $0x0  }
0x17: {  	s31 =	simm.s32 $0x2710;
	s30 =	rddreg [dreg:$0x4];
	[sflag:s13] =	ssyncadd.s32 $0xFFFFD8F0  }
0x18: {  	[tilespmem:s31], [sflag:$0x5] =	stream.linear.gather [hbm4b:s30+s2], $0x2710, $0x38;
	[tilespmem:$0x8040] =	vst v63  }
0x19: {  	_ =	swait.ge [sflag:s13], $0x2710  }
0x1a: {  	[sflag:s13] =	ssyncset.done $0x0  }
0x1b: {  	[sflag:s13] =	ssyncadd.s32 $0xFFFFD8F0  }
0x1c: {  	v12 =	vld [tilespmem:$0x8020]  }
0x1d: {  	v11 =	vld [tilespmem:$0x8030];
	[tilespmem:s16], [sflag:$0x1] =	stream.indirect.gather [hbm4b:s4+s15], $0x20, s2, s15, $0xb8  }
0x1e: {  	s29 =	simm.s32 $0x0  }
0x1f: {  	[tilespmem:s17], [sflag:$0x1] =	stream.indirect.gather [hbm4b:s5+s15], $0x20, s31, s15, $0xb8;
	[tilespmem:$0x8040] =	vst v63  }
.LBB2_2:
0x20: {  	s31 =	smul.u32 $0xA0, s29;
	_ =	sdelay $0x1  }
0x21: {  	s30 =	sadd.s32 $0x50, s31  }
0x22: {  	[tilespmem:s18], [sflag:$0x2] =	stream.indirect.gather [hbm4b:s4+s15], $0x20, s30, s15, $0xb8;
	[tilespmem:$0x8040] =	vst v63  }
0x23: {  	s0 =	sadd.s32 $0x2760, s31  }
0x24: {  	[tilespmem:s19], [sflag:$0x2] =	stream.indirect.gather [hbm4b:s5+s15], $0x20, s0, s15, $0xb8;
	[tilespmem:$0x8040] =	vst v63  }
0x25: {  	_ =	swait.ge [sflag:s20], $0xA00  }
0x26: {  	[sflag:s20] =	ssyncset.done $0x0  }
0x27: {  	[sflag:s20] =	ssyncadd.s32 $0xFFFFF600  }
0x28: {  	_ =	swait.ge [sflag:s20], $0xA00  }
0x29: {  	p0 =	seq.s32 s29, $0x0;
	[sflag:s20] =	ssyncset.done $0x0  }
0x2a: {  	s0 =	simm.s32 @!p0 $0x3;
	[sflag:s20] =	ssyncadd.s32 $0xFFFFF600  }
0x2b: {  	_ =	swait.ge @!p0 [sflag:s0], $0x500  }
0x2c: {  	[sflag:s0] =	ssyncset.done @!p0 $0x0  }
0x2d: {  	s1 =	simm.s32 $0x4EA0;
	[sflag:s0] =	ssyncadd.s32 @!p0 $0xFFFFFB00  }
0x2e: {  	s9 =	simm.s32 $0x58A0;
	v13 =	vld [tilespmem:s1+$0x70]  }
0x2f: {  	v14 =	vld [tilespmem:s9+$0x70]  }
0x30: {  	v15 =	vld [tilespmem:s1+$0xFFFFFFB0]  }
0x31: {  	v17 =	vld [tilespmem:s9+$0xFFFFFFB0]  }
0x32: {  	v18 =	vld [tilespmem:s1+$0xFFFFFFD0]  }
0x33: {  	v19 =	vld [tilespmem:s9+$0xFFFFFFD0]  }
0x34: {  	v27 =	vld [tilespmem:s1+$0x50]  }
0x35: {  	v29 =	vld [tilespmem:s9+$0x50]  }
0x36: {  	v20 =	vld [tilespmem:s9+$0xFFFFFFF0]  }
0x37: {  	v22 =	vld [tilespmem:s9+$0x10]  }
0x38: {  	v24 =	vld [tilespmem:s9+$0x30];
	v13 =	vadd.f32 v14, v13  }
0x39: {  	v30 =	vld [tilespmem:s1+$0x60];
	v15 =	vadd.f32 v17, v15  }
0x3a: {  	v45 =	vld [tilespmem:s9+$0x60];
	v27 =	vadd.f32 v29, v27;
	v21 =	vperm.xlane v13, v1;
	v13 =	vperm.xlane v13, v2  }
0x3b: {  	v36 =	vld [tilespmem:s1+$0xFFFFFFC0];
	v23 =	vperm.xlane v15, v1;
	v15 =	vperm.xlane v15, v2  }
0x3c: {  	v14 =	vld [tilespmem:s1+$0xFFFFFFF0];
	v18 =	vadd.f32 v19, v18;
	v33 =	vperm.xlane v27, v1;
	v27 =	vperm.xlane v27, v2  }
0x3d: {  	v17 =	vld [tilespmem:s1+$0x10];
	v21 =	vmul.f32 $3.906250000e-03, v21;
	v25 =	vmul.f32 $3.906250000e-03, v13  }
0x3e: {  	s12 =	simm.s32 $0x7;
	v19 =	vld [tilespmem:s1+$0x30];
	v13 =	vmul.f32 $3.906250000e-03, v23;
	v23 =	vperm.xlane v18, v1  }
0x3f: {  	v62 =	vmov s12;
	v47 =	vld [tilespmem:s9+$0xFFFFFFC0];
	v28 =	vmul.f32 $3.906250000e-03, v15;
	v18 =	vperm.xlane v18, v2  }
0x40: {  	v29 =	vadd.f32 v45, v30;
	v33 =	vmul.f32 $3.906250000e-03, v33;
	v27 =	vmul.f32 $3.906250000e-03, v27  }
0x41: {  	v53 =	vld [tilespmem:s1+$0x0];
	v20 =	vadd.f32 v20, v14;
	v26 =	vmul.f32 v21, v21;
	v14 =	vmul.f32 $3.906250000e-03, v23  }
0x42: {  	v56 =	vld [tilespmem:s9+$0x0];
	v17 =	vadd.f32 v22, v17;
	v22 =	vmul.f32 v13, v13;
	v21 =	vmul.f32 v21, v12  }
0x43: {  	v19 =	vadd.f32 v24, v19;
	v40 =	vmul.f32 v33, v33;
	v18 =	vmul.f32 $3.906250000e-03, v18  }
0x44: {  	v30 =	vadd.f32 v47, v36;
	v13 =	vmul.f32 v13, v12;
	v23 =	vperm.xlane v20, v1  }
0x45: {  	v20 =	vperm.xlane v20, v2;
	v31 =	vperm.xlane v19, v1;
	v15 =	vsub.f32 v25, v26  }
0x46: {  	v19 =	vperm.xlane v19, v2;
	v22 =	vsub.f32 v28, v22;
	v21 =	vsub.f32 v29, v21  }
0x47: {  	v49 =	vmul.f32 v14, v14;
	v27 =	vsub.f32 v27, v40;
	v29 =	vadd.f32 v56, v53  }
0x48: {  	v40 =	vshrl.u32 v62, $0x3;
	v14 =	vmul.f32 v14, v12;
	v31 =	vmul.f32 $3.906250000e-03, v31  }
0x49: {  	v20 =	vmul.f32 $3.906250000e-03, v20;
	v19 =	vmul.f32 $3.906250000e-03, v19;
	v40 =	vshll.u32 v40, v3  }
0x4a: {  	v26 =	vadd.f32 $9.999999740e-06, v15;
	v15 =	vmul.f32 $3.906250000e-03, v23;
	v23 =	vperm.xlane v17, v1  }
0x4b: {  	v16 =	vld [tilespmem:s9+$0xFFFFFF90];
	v17 =	vperm.xlane v17, v2;
	v22 =	vadd.f32 $9.999999740e-06, v22;
	v18 =	vsub.f32 v18, v49  }
0x4c: {  	v25 =	vld [tilespmem:s1+$0xFFFFFF90];
	v27 =	vadd.f32 $9.999999740e-06, v27;
	v40 =	vbroadcast v40, $0x0;
	v51 =	vmul.f32 v31, v31  }
0x4d: {  	v58 =	vld [tilespmem:s1+$0x20];
	v31 =	vmul.f32 v31, v12;
	v24 =	vshra.s32 v26, $0x1;
	v26 =	vmul.f32 $5.000000000e-01, v26  }
0x4e: {  	v60 =	vld [tilespmem:s9+$0x20];
	v14 =	vsub.f32 v30, v14;
	v23 =	vmul.f32 $3.906250000e-03, v23;
	v39 =	vmul.f32 v15, v15  }
0x4f: {  	v38 =	vshra.s32 v22, $0x1;
	v17 =	vmul.f32 $3.906250000e-03, v17;
	v22 =	vmul.f32 $5.000000000e-01, v22  }
0x50: {  	v18 =	vadd.f32 $9.999999740e-06, v18;
	v41 =	vshra.s32 v27, $0x1;
	v27 =	vmul.f32 $5.000000000e-01, v27  }
0x51: {  	v15 =	vmul.f32 v15, v12;
	v24 =	vsub.s32 $0x5F3759DF, v24;
	v16 =	vadd.f32 v16, v25  }
0x52: {  	v19 =	vsub.f32 v19, v51;
	v52 =	vsub.s32 $0x5F3759DF, v38;
	v41 =	vsub.s32 $0x5F3759DF, v41  }
0x53: {  	v38 =	vadd.f32 v60, v58;
	v25 =	vmul.f32 v24, v26;
	v50 =	vmul.f32 v23, v23  }
0x54: {  	v54 =	vshra.s32 v18, $0x1;
	v18 =	vmul.f32 $5.000000000e-01, v18;
	v27 =	vmul.f32 v41, v27  }
0x55: {  	v20 =	vsub.f32 v20, v39;
	v23 =	vmul.f32 v23, v12;
	v35 =	vperm.xlane v16, v1  }
0x56: {  	v16 =	vperm.xlane v16, v2;
	v19 =	vadd.f32 $9.999999740e-06, v19;
	v25 =	vmul.f32 v24, v25  }
0x57: {  	v32 =	vld [tilespmem:s1+$0xFFFFFF80];
	v17 =	vsub.f32 v17, v50;
	v20 =	vadd.f32 $9.999999740e-06, v20;
	v27 =	vmul.f32 v41, v27  }
0x58: {  	v26 =	vld [tilespmem:s9+$0xFFFFFF80];
	v23 =	vsub.f32 v29, v23;
	v35 =	vmul.f32 $3.906250000e-03, v35;
	v16 =	vmul.f32 $3.906250000e-03, v16  }
0x59: {  	v34 =	vld [tilespmem:s1+$0xFFFFFFA0];
	v59 =	vshra.s32 v19, $0x1;
	v19 =	vmul.f32 $5.000000000e-01, v19;
	v25 =	vsub.f32 $1.500000000e+00, v25  }
0x5a: {  	v46 =	vld [tilespmem:s9+$0xFFFFFFA0];
	v17 =	vadd.f32 $9.999999740e-06, v17;
	v55 =	vshra.s32 v20, $0x1;
	v20 =	vmul.f32 $5.000000000e-01, v20  }
0x5b: {  	v39 =	vsub.s32 $0x5F3759DF, v59;
	v48 =	vmul.f32 v35, v35;
	v24 =	vmul.f32 v24, v25  }
0x5c: {  	v37 =	vld [tilespmem:s1+$0xFFFFFFE0];
	v27 =	vsub.f32 $1.500000000e+00, v27;
	v19 =	vmul.f32 v39, v19;
	v35 =	vmul.f32 v35, v12  }
0x5d: {  	v25 =	vadd.f32 v26, v32;
	v26 =	vld [tilespmem:s9+$0xFFFFFFE0];
	v32 =	vsub.s32 $0x5F3759DF, v54;
	v21 =	vmul.f32 v24, v21  }
0x5e: {  	v57 =	vshra.s32 v17, $0x1;
	v17 =	vmul.f32 $5.000000000e-01, v17;
	v18 =	vmul.f32 v32, v18  }
0x5f: {  	v24 =	vadd.f32 v46, v34;
	v34 =	vsub.s32 $0x5F3759DF, v55;
	v21 =	vadd.f32 v21, v11  }
0x60: {  	v16 =	vsub.f32 v16, v48;
	v19 =	vmul.f32 v39, v19;
	v20 =	vmul.f32 v34, v20  }
0x61: {  	v25 =	vsub.f32 v25, v35;
	v18 =	vmul.f32 v32, v18;
	v21 =	vsub.f32 $0.0e+00, v21  }
0x62: {  	v16 =	vadd.f32 $9.999999740e-06, v16;
	v26 =	vadd.f32 v26, v37;
	v20 =	vmul.f32 v34, v20  }
0x63: {  	v37 =	vsub.s32 $0x5F3759DF, v57;
	v18 =	vsub.f32 $1.500000000e+00, v18;
	v21 =	vmul.f32 $1.442695020e+00, v21  }
0x64: {  	v19 =	vsub.f32 $1.500000000e+00, v19;
	v17 =	vmul.f32 v37, v17;
	v20 =	vsub.f32 $1.500000000e+00, v20  }
0x65: {  	v18 =	vmul.f32 v32, v18;
	v15 =	vsub.f32 v26, v15;
	(erf) = vpow2.f32 v21  }
0x66: {  	v21 =	vmul.f32 v52, v22;
	v22 =	vshra.s32 v16, $0x1;
	v16 =	vmul.f32 $5.000000000e-01, v16  }
0x67: {  	v17 =	vmul.f32 v37, v17;
	v20 =	vmul.f32 v34, v20;
	v22 =	vsub.s32 $0x5F3759DF, v22  }
0x68: {  	v13 =	vsub.f32 v24, v13;
	v14 =	vmul.f32 v18, v14;
	v16 =	vmul.f32 v22, v16  }
0x69: {  	v24 =	vmul.f32 v41, v27;
	v17 =	vsub.f32 $1.500000000e+00, v17;
	v15 =	vmul.f32 v20, v15  }
0x6a: {  	v19 =	vmul.f32 v39, v19;
	v14 =	vadd.f32 v14, v11;
	v16 =	vmul.f32 v22, v16  }
0x6b: {  	v21 =	vmul.f32 v52, v21;
	v17 =	vmul.f32 v37, v17;
	v15 =	vadd.f32 v15, v11  }
0x6c: {  	v63 =	vld [tilespmem:s1+$0x40];
	v20 =	vadd.s32 v10, v40;
	v14 =	vsub.f32 $0.0e+00, v14;
	v16 =	vsub.f32 $1.500000000e+00, v16  }
0x6d: {  	s6 =	simm.s32 $0x3;
	v42 =	vld [tilespmem:s9+$0x40];
	v21 =	vsub.f32 $1.500000000e+00, v21;
	v17 =	vmul.f32 v17, v23;
	v15 =	vsub.f32 $0.0e+00, v15  }
0x6e: {  	v23 =	vmov s6;
	v14 =	vmul.f32 $1.442695020e+00, v14;
	v16 =	vmul.f32 v22, v16  }
0x6f: {  	v21 =	vmul.f32 v52, v21;
	v17 =	vadd.f32 v17, v11;
	v15 =	vmul.f32 $1.442695020e+00, v15;
	v61 =	vpop (erf)  }
0x70: {  	s12 =	simm.s32 $0x0;
	v22 =	vmul.f32 v33, v12;
	v36 =	vadd.f32 $1.000000000e+00, v61;
	v16 =	vmul.f32 v16, v25  }
0x71: {  	v13 =	vmul.f32 v21, v13;
	v21 =	vmov s12;
	v25 =	vsub.f32 v38, v31  }
0x72: {  	(erf) = vrcp.f32 v36;
	v36 =	vadd.f32 v42, v63;
	v16 =	vadd.f32 v16, v11  }
0x73: {  	v17 =	vsub.f32 $0.0e+00, v17;
	v13 =	vadd.f32 v13, v11;
	v19 =	vmul.f32 v19, v25  }
0x74: {  	v21 =	vshrl.u32 v21, $0x3;
	v18 =	vsub.f32 v36, v22;
	v16 =	vsub.f32 $0.0e+00, v16  }
0x75: {  	s14 =	simm.s32 $0x1;
	v17 =	vmul.f32 $1.442695020e+00, v17;
	v13 =	vsub.f32 $0.0e+00, v13;
	v19 =	vadd.f32 v19, v11  }
0x76: {  	v22 =	vmov s14;
	v18 =	vmul.f32 v24, v18;
	v16 =	vmul.f32 $1.442695020e+00, v16  }
0x77: {  	s12 =	simm.s32 $0x5;
	v13 =	vmul.f32 $1.442695020e+00, v13;
	v22 =	vshrl.u32 v22, $0x3;
	v19 =	vsub.f32 $0.0e+00, v19  }
0x78: {  	v24 =	vmov s12;
	v18 =	vadd.f32 v18, v11;
	(erf) = vpow2.f32 v16  }
0x79: {  	s1 =	simm.s32 $0x2;
	v25 =	vshrl.u32 v24, $0x3;
	v19 =	vmul.f32 $1.442695020e+00, v19;
	(erf) = vpow2.f32 v13  }
0x7a: {  	s9 =	simm.s32 $0x4;
	v16 =	vmov s1;
	v18 =	vsub.f32 $0.0e+00, v18;
	(erf) = vpow2.f32 v14  }
0x7b: {  	v13 =	vmov s9;
	v16 =	vshrl.u32 v16, $0x3;
	(erf) = vpow2.f32 v15  }
0x7c: {  	s14 =	simm.s32 $0x6;
	v14 =	vshll.u32 v21, v3;
	v18 =	vmul.f32 $1.442695020e+00, v18;
	(erf) = vpow2.f32 v17  }
0x7d: {  	v21 =	vmov s14;
	v13 =	vshrl.u32 v13, $0x3;
	(erf) = vpow2.f32 v19  }
0x7e: {  	s12 =	simm.s32 $0x59A0;
	v24 =	vshll.u32 v16, v3;
	v15 =	vpop (erf);
	v17 =	vshrl.u32 v23, $0x3;
	(erf) = vpow2.f32 v18  }
0x7f: {  	s0 =	simm.s32 $0x4FA0;
	v16 =	vld [tilespmem:s12+$0x70];
	[tilespmem:v20+s21+$0x0] =	vst.idx.msk $0xffff, v15;
	v23 =	vshll.u32 v22, v3;
	v20 =	vshll.u32 v25, v3;
	v19 =	vshrl.u32 v21, $0x3  }
0x80: {  	s1 =	simm.s32 $0x8;
	s14 =	simm.s32 $0x10;
	v15 =	vld [tilespmem:s0+$0x70];
	v22 =	vshll.u32 v17, v3;
	v21 =	vshll.u32 v13, v3;
	v18 =	vbroadcast v14, $0x0  }
.LBB2_3:
0x81: {  	p1 =	slt.u32 s14, $0x48;
	v25 =	vld [tilespmem:s12+$0xFFFFFF90];
	v17 =	vbroadcast v23, $0x0;
	v23 =	vbroadcast v24, $0x0;
	v13 =	vshll.u32 v19, v3;
	v14 =	vpop (erf)  }
0x82: {  	v22 =	vbroadcast v22, $0x0;
	v21 =	vbroadcast v21, $0x0;
	v19 =	vld [tilespmem:s0+$0xFFFFFFB0];
	v24 =	vadd.f32 $1.000000000e+00, v14;
	v14 =	vpop (erf)  }
0x83: {  	v27 =	vadd.s32 v0, v18;
	v26 =	vld [tilespmem:s12+$0xFFFFFFB0];
	v18 =	vadd.f32 $1.000000000e+00, v14;
	v14 =	vbroadcast v20, $0x0;
	v20 =	vpop (erf)  }
0x84: {  	v29 =	vadd.s32 v4, v17;
	v28 =	vld [tilespmem:s0+$0xFFFFFFD0];
	v17 =	vadd.f32 $1.000000000e+00, v20;
	(erf) = vrcp.f32 v24;
	v20 =	vpop (erf)  }
0x85: {  	v24 =	vld [tilespmem:s12+$0xFFFFFFD0];
	v30 =	vadd.f32 v16, v15;
	v32 =	vadd.f32 $1.000000000e+00, v20;
	(erf) = vrcp.f32 v18;
	v15 =	vpop (erf)  }
0x86: {  	v20 =	vadd.s32 v5, v23;
	v18 =	vld [tilespmem:s0+$0xFFFFFFF0];
	v23 =	vadd.f32 $1.000000000e+00, v15;
	(erf) = vrcp.f32 v17;
	v15 =	vpop (erf)  }
0x87: {  	v31 =	vld [tilespmem:s12+$0xFFFFFFF0];
	v17 =	vperm.xlane v30, v1;
	v15 =	vadd.f32 $1.000000000e+00, v15;
	(erf) = vrcp.f32 v32;
	v16 =	vpop (erf)  }
0x88: {  	v19 =	vadd.f32 v26, v19;
	v26 =	vld [tilespmem:s0+$0x10];
	v16 =	vadd.f32 $1.000000000e+00, v16;
	(erf) = vrcp.f32 v23  }
0x89: {  	v22 =	vadd.s32 v6, v22;
	v30 =	vperm.xlane v30, v2;
	v23 =	vld [tilespmem:s12+$0x10];
	v32 =	vmul.f32 $3.906250000e-03, v17  }
0x8a: {  	v17 =	vperm.xlane v19, v1;
	v19 =	vperm.xlane v19, v2;
	v24 =	vadd.f32 v24, v28;
	v28 =	vld [tilespmem:s0+$0x30]  }
0x8b: {  	v21 =	vadd.s32 v7, v21;
	v39 =	vmul.f32 $3.906250000e-03, v30;
	v33 =	vld [tilespmem:s12+$0x30];
	v34 =	vmul.f32 v32, v32  }
0x8c: {  	v17 =	vmul.f32 $3.906250000e-03, v17;
	v35 =	vperm.xlane v24, v1;
	v31 =	vadd.f32 v31, v18;
	v36 =	vld [tilespmem:s0+$0x50]  }
0x8d: {  	v37 =	vmul.f32 $3.906250000e-03, v19;
	v38 =	vperm.xlane v24, v2;
	v24 =	vld [tilespmem:s12+$0x50];
	v19 =	vsub.f32 v39, v34;
	v30 =	vpop (erf)  }
0x8e: {  	v34 =	vld [tilespmem:s0+$0xFFFFFF90];
	v18 =	vmul.f32 $3.906250000e-03, v35;
	v35 =	vperm.xlane v31, v1;
	v23 =	vadd.f32 v23, v26;
	[tilespmem:v27+s21+$0x0] =	vst.idx.msk $0xffff, v30;
	v26 =	vpop (erf)  }
0x8f: {  	v30 =	vmul.f32 v17, v17;
	v31 =	vperm.xlane v31, v2;
	v27 =	vld [tilespmem:s0+$0xFFFFFF80];
	v39 =	vadd.f32 $9.999999740e-06, v19;
	[tilespmem:v29+s21+$0x0] =	vst.idx.msk $0xffff, v26;
	v26 =	vpop (erf)  }
0x90: {  	v29 =	vld [tilespmem:s12+$0xFFFFFF80];
	v19 =	vmul.f32 $3.906250000e-03, v35;
	v35 =	vperm.xlane v23, v1;
	v28 =	vadd.f32 v33, v28;
	[tilespmem:v20+s21+$0x0] =	vst.idx.msk $0xffff, v26;
	v20 =	vpop (erf)  }
0x91: {  	v26 =	vperm.xlane v23, v2;
	v23 =	vshra.s32 v39, $0x1;
	v33 =	vmul.f32 $5.000000000e-01, v39;
	v39 =	vld [tilespmem:s0+$0x60];
	[tilespmem:v22+s21+$0x0] =	vst.idx.msk $0xffff, v20;
	v20 =	vpop (erf)  }
0x92: {  	v22 =	vperm.xlane v28, v1;
	v24 =	vadd.f32 v24, v36;
	v36 =	vsub.s32 $0x5F3759DF, v23;
	v40 =	vld [tilespmem:s12+$0x60];
	[tilespmem:v21+s21+$0x0] =	vst.idx.msk $0xffff, v20  }
0x93: {  	v20 =	vmul.f32 $3.906250000e-03, v35;
	v23 =	vadd.f32 v25, v34;
	v25 =	vld [tilespmem:s0+$0xFFFFFFA0];
	v33 =	vmul.f32 v36, v33  }
0x94: {  	v30 =	vsub.f32 v37, v30;
	v34 =	vld [tilespmem:s12+$0xFFFFFFA0];
	v21 =	vmul.f32 $3.906250000e-03, v22;
	v35 =	vperm.xlane v24, v1  }
0x95: {  	v37 =	vperm.xlane v23, v1;
	v22 =	vadd.f32 v29, v27;
	v27 =	vld [tilespmem:s0+$0xFFFFFFC0];
	v29 =	vmul.f32 v36, v33  }
0x96: {  	v30 =	vadd.f32 $9.999999740e-06, v30;
	v33 =	vperm.xlane v23, v2;
	v41 =	vld [tilespmem:s12+$0xFFFFFFC0];
	v23 =	vmul.f32 $3.906250000e-03, v35  }
0x97: {  	v32 =	vmul.f32 v32, v12;
	v35 =	vld [tilespmem:s0+$0xFFFFFFE0];
	v29 =	vsub.f32 $1.500000000e+00, v29;
	v39 =	vadd.f32 v40, v39  }
0x98: {  	v28 =	vperm.xlane v28, v2;
	v37 =	vmul.f32 $3.906250000e-03, v37;
	v40 =	vshra.s32 v30, $0x1;
	v42 =	vld [tilespmem:s12+$0xFFFFFFE0]  }
0x99: {  	v44 =	vperm.xlane v24, v2;
	v43 =	vld [tilespmem:s0+$0x0];
	v29 =	vmul.f32 v36, v29;
	v32 =	vsub.f32 v39, v32  }
0x9a: {  	v24 =	vsub.s32 $0x5F3759DF, v40;
	v36 =	vmul.f32 v37, v37;
	v39 =	vmul.f32 v18, v18;
	v40 =	vld [tilespmem:s12+$0x0]  }
0x9b: {  	v25 =	vadd.f32 v34, v25;
	v34 =	vmul.f32 v19, v19;
	v45 =	vld [tilespmem:s0+$0x20];
	v29 =	vmul.f32 v29, v32  }
0x9c: {  	v27 =	vadd.f32 v41, v27;
	v32 =	vmul.f32 v20, v20;
	v41 =	vmul.f32 v21, v21;
	v46 =	vld [tilespmem:s12+$0x20]  }
0x9d: {  	v33 =	vmul.f32 $3.906250000e-03, v33;
	v47 =	vmul.f32 v23, v23;
	v48 =	vld [tilespmem:s0+$0x40];
	v29 =	vadd.f32 v29, v11  }
0x9e: {  	v38 =	vmul.f32 $3.906250000e-03, v38;
	v31 =	vmul.f32 $3.906250000e-03, v31;
	v35 =	vadd.f32 v42, v35;
	v42 =	vld [tilespmem:s12+$0x40]  }
0x9f: {  	v26 =	vmul.f32 $3.906250000e-03, v26;
	v28 =	vmul.f32 $3.906250000e-03, v28;
	v29 =	vsub.f32 $0.0e+00, v29  }
0xa0: {  	v33 =	vsub.f32 v33, v36;
	v36 =	vsub.f32 v38, v39;
	v38 =	vmul.f32 $3.906250000e-03, v44  }
0xa1: {  	v31 =	vsub.f32 v31, v34;
	v26 =	vsub.f32 v26, v32;
	v29 =	vmul.f32 $1.442695020e+00, v29  }
0xa2: {  	v30 =	vmul.f32 $5.000000000e-01, v30;
	v28 =	vsub.f32 v28, v41;
	v32 =	vsub.f32 v38, v47  }
0xa3: {  	v33 =	vadd.f32 $9.999999740e-06, v33;
	v34 =	vadd.f32 $9.999999740e-06, v36;
	(erf) = vpow2.f32 v29  }
0xa4: {  	v26 =	vadd.f32 $9.999999740e-06, v26;
	v29 =	vmul.f32 v24, v30;
	v30 =	vadd.f32 $9.999999740e-06, v31  }
0xa5: {  	v28 =	vadd.f32 $9.999999740e-06, v28;
	v32 =	vadd.f32 $9.999999740e-06, v32;
	v31 =	vshra.s32 v33, $0x1  }
0xa6: {  	v36 =	vshra.s32 v34, $0x1;
	v34 =	vmul.f32 $5.000000000e-01, v34;
	v33 =	vmul.f32 $5.000000000e-01, v33  }
0xa7: {  	v39 =	vshra.s32 v26, $0x1;
	v38 =	vshra.s32 v30, $0x1;
	v30 =	vmul.f32 $5.000000000e-01, v30  }
0xa8: {  	v26 =	vmul.f32 $5.000000000e-01, v26;
	v41 =	vshra.s32 v28, $0x1;
	v28 =	vmul.f32 $5.000000000e-01, v28  }
0xa9: {  	v44 =	vshra.s32 v32, $0x1;
	v32 =	vmul.f32 $5.000000000e-01, v32;
	v31 =	vsub.s32 $0x5F3759DF, v31  }
0xaa: {  	v36 =	vsub.s32 $0x5F3759DF, v36;
	v39 =	vsub.s32 $0x5F3759DF, v39;
	v38 =	vsub.s32 $0x5F3759DF, v38  }
0xab: {  	v41 =	vsub.s32 $0x5F3759DF, v41;
	v44 =	vsub.s32 $0x5F3759DF, v44;
	v33 =	vmul.f32 v31, v33  }
0xac: {  	v40 =	vadd.f32 v40, v43;
	v34 =	vmul.f32 v36, v34;
	v30 =	vmul.f32 v38, v30;
	v43 =	vpop (erf)  }
0xad: {  	v26 =	vmul.f32 v39, v26;
	v28 =	vmul.f32 v41, v28;
	v43 =	vadd.f32 $1.000000000e+00, v43  }
0xae: {  	s6 =	sadd.s32 $0x7, s1;
	v45 =	vadd.f32 v46, v45;
	v32 =	vmul.f32 v44, v32;
	v33 =	vmul.f32 v31, v33  }
0xaf: {  	v46 =	vmov s6;
	v29 =	vmul.f32 v24, v29;
	(erf) = vrcp.f32 v43  }
0xb0: {  	v34 =	vmul.f32 v36, v34;
	v30 =	vmul.f32 v38, v30;
	v43 =	vshrl.u32 v46, $0x3  }
0xb1: {  	v26 =	vmul.f32 v39, v26;
	v28 =	vmul.f32 v41, v28;
	v43 =	vshll.u32 v43, v3  }
0xb2: {  	v32 =	vmul.f32 v44, v32;
	v33 =	vsub.f32 $1.500000000e+00, v33;
	v43 =	vbroadcast v43, $0x0  }
0xb3: {  	v37 =	vmul.f32 v37, v12;
	v34 =	vsub.f32 $1.500000000e+00, v34;
	v29 =	vsub.f32 $1.500000000e+00, v29  }
0xb4: {  	v26 =	vsub.f32 $1.500000000e+00, v26;
	v30 =	vsub.f32 $1.500000000e+00, v30;
	v43 =	vadd.s32 v10, v43  }
0xb5: {  	v17 =	vmul.f32 v17, v12;
	v28 =	vsub.f32 $1.500000000e+00, v28;
	v32 =	vsub.f32 $1.500000000e+00, v32  }
0xb6: {  	v18 =	vmul.f32 v18, v12;
	v19 =	vmul.f32 v19, v12;
	v42 =	vadd.f32 v42, v48  }
0xb7: {  	v22 =	vsub.f32 v22, v37;
	v20 =	vmul.f32 v20, v12;
	v21 =	vmul.f32 v21, v12  }
0xb8: {  	v23 =	vmul.f32 v23, v12;
	v17 =	vsub.f32 v25, v17;
	v31 =	vmul.f32 v31, v33;
	v25 =	vpop (erf)  }
0xb9: {  	v24 =	vmul.f32 v24, v29;
	v29 =	vmul.f32 v36, v34;
	v33 =	vmov s1;
	[tilespmem:v43+s21+$0x0] =	vst.idx.msk $0xffff, v25  }
0xba: {  	v18 =	vsub.f32 v27, v18;
	v26 =	vmul.f32 v39, v26;
	v25 =	vmul.f32 v38, v30  }
0xbb: {  	v19 =	vsub.f32 v35, v19;
	v27 =	vmul.f32 v41, v28;
	v28 =	vmul.f32 v44, v32  }
0xbc: {  	v20 =	vsub.f32 v40, v20;
	v21 =	vsub.f32 v45, v21;
	v22 =	vmul.f32 v31, v22  }
0xbd: {  	v23 =	vsub.f32 v42, v23;
	v17 =	vmul.f32 v24, v17;
	v18 =	vmul.f32 v29, v18  }
0xbe: {  	v20 =	vmul.f32 v26, v20;
	v22 =	vadd.f32 v22, v11;
	v19 =	vmul.f32 v25, v19  }
0xbf: {  	v21 =	vmul.f32 v27, v21;
	v23 =	vmul.f32 v28, v23;
	v17 =	vadd.f32 v17, v11  }
0xc0: {  	v18 =	vadd.f32 v18, v11;
	v19 =	vadd.f32 v19, v11;
	(erf) = vrcp.f32 v15  }
0xc1: {  	v15 =	vadd.f32 v20, v11;
	v20 =	vadd.f32 v21, v11;
	(erf) = vrcp.f32 v16  }
0xc2: {  	v13 =	vbroadcast v13, $0x0;
	v21 =	vadd.f32 v23, v11;
	v16 =	vsub.f32 $0.0e+00, v22  }
0xc3: {  	v14 =	vadd.s32 v8, v14;
	v17 =	vsub.f32 $0.0e+00, v17;
	v18 =	vsub.f32 $0.0e+00, v18  }
0xc4: {  	v19 =	vsub.f32 $0.0e+00, v19;
	v15 =	vsub.f32 $0.0e+00, v15;
	v16 =	vmul.f32 $1.442695020e+00, v16  }
0xc5: {  	v17 =	vmul.f32 $1.442695020e+00, v17;
	v20 =	vsub.f32 $0.0e+00, v20;
	v21 =	vsub.f32 $0.0e+00, v21  }
0xc6: {  	v13 =	vadd.s32 v9, v13;
	v18 =	vmul.f32 $1.442695020e+00, v18;
	v19 =	vmul.f32 $1.442695020e+00, v19  }
0xc7: {  	s6 =	sadd.s32 $0x1, s1;
	v22 =	vshrl.u32 v33, $0x3;
	v15 =	vmul.f32 $1.442695020e+00, v15;
	v20 =	vmul.f32 $1.442695020e+00, v20  }
0xc8: {  	s9 =	sadd.s32 $0x3, s1;
	v23 =	vmov s6;
	s6 =	sadd.s32 $0x2, s1;
	v21 =	vmul.f32 $1.442695020e+00, v21;
	(erf) = vpow2.f32 v16  }
0xc9: {  	v24 =	vmov s9;
	s9 =	sadd.s32 $0x5, s1;
	v16 =	vmov s6;
	s6 =	sadd.s32 $0x4, s1;
	(erf) = vpow2.f32 v17;
	v17 =	vpop (erf)  }
0xca: {  	v26 =	vmov s9;
	v25 =	vmov s6;
	s6 =	sadd.s32 $0x6, s1;
	s1 =	smov.u32 s14;
	(erf) = vpow2.f32 v18;
	[tilespmem:v14+s21+$0x0] =	vst.idx.msk $0xffff, v17;
	v14 =	vpop (erf)  }
0xcb: {  	v17 =	vshll.u32 v22, v3;
	v18 =	vmov s6;
	(erf) = vpow2.f32 v19;
	[tilespmem:v13+s21+$0x0] =	vst.idx.msk $0xffff, v14  }
.Ltmp0:
0xcc: {  	v13 =	vshrl.u32 v23, $0x3;
	v14 =	vshrl.u32 v16, $0x3;
	(erf) = vpow2.f32 v15;
	(pc) =	sbr.rel @p1 .LBB2_3-.Ltmp0, $4  }
0xcd: {  	v22 =	vshrl.u32 v24, $0x3;
	v25 =	vshrl.u32 v25, $0x3;
	(erf) = vpow2.f32 v20  }
0xce: {  	s0 =	sadd.s32 $0x100, s0;
	v19 =	vshrl.u32 v18, $0x3;
	v20 =	vshrl.u32 v26, $0x3;
	(erf) = vpow2.f32 v21  }
0xcf: {  	s12 =	sadd.s32 $0x100, s12;
	v18 =	vbroadcast v17, $0x0;
	v23 =	vshll.u32 v13, v3;
	v24 =	vshll.u32 v14, v3;
	v15 =	vld [tilespmem:s0+$0x70]  }
0xd0: {  	s14 =	sadd.s32 $0x8, s14;
	v22 =	vshll.u32 v22, v3;
	v21 =	vshll.u32 v25, v3;
	v20 =	vshll.u32 v20, v3;
	v16 =	vld [tilespmem:s12+$0x70]  }
0xd1: {  	v17 =	vld [tilespmem:s12+$0xFFFFFFB0]  }
0xd2: {  	v26 =	vld [tilespmem:s0+$0xFFFFFFD0]  }
0xd3: {  	v29 =	vld [tilespmem:s0+$0x60]  }
0xd4: {  	v31 =	vld [tilespmem:s12+$0x60]  }
0xd5: {  	v32 =	vld [tilespmem:s12+$0xFFFFFFD0];
	v13 =	vadd.f32 v16, v15  }
0xd6: {  	v48 =	vld [tilespmem:s12+$0xFFFFFFF0]  }
0xd7: {  	v25 =	vpop (erf);
	v50 =	vld [tilespmem:s0+$0x30];
	v14 =	vperm.xlane v13, v1  }
0xd8: {  	v56 =	vld [tilespmem:s0+$0xFFFFFFA0];
	v23 =	vbroadcast v23, $0x0;
	v25 =	vadd.f32 $1.000000000e+00, v25  }
0xd9: {  	v57 =	vld [tilespmem:s12+$0xFFFFFFA0];
	v27 =	vpop (erf);
	v13 =	vperm.xlane v13, v2;
	v14 =	vmul.f32 $3.906250000e-03, v14  }
0xda: {  	v51 =	vld [tilespmem:s12+$0x30];
	v24 =	vbroadcast v24, $0x0;
	v27 =	vadd.f32 $1.000000000e+00, v27;
	v30 =	vpop (erf);
	(erf) = vrcp.f32 v25  }
0xdb: {  	v54 =	vld [tilespmem:s0+$0xFFFFFF90];
	v30 =	vadd.f32 $1.000000000e+00, v30;
	v13 =	vmul.f32 $3.906250000e-03, v13;
	v15 =	vmul.f32 v14, v14  }
0xdc: {  	v22 =	vbroadcast v22, $0x0;
	(erf) = vrcp.f32 v27;
	v27 =	vld [tilespmem:s0+$0xFFFFFFF0];
	v25 =	vpop (erf);
	v26 =	vadd.f32 v32, v26  }
0xdd: {  	v35 =	vld [tilespmem:s0+$0xFFFFFF80];
	v25 =	vadd.f32 $1.000000000e+00, v25;
	v33 =	vpop (erf);
	(erf) = vrcp.f32 v30;
	v13 =	vsub.f32 v13, v15  }
0xde: {  	v30 =	vadd.f32 v57, v56;
	v56 =	vbroadcast v21, $0x0;
	v33 =	vadd.f32 $1.000000000e+00, v33;
	v15 =	vld [tilespmem:s0+$0xFFFFFFB0]  }
0xdf: {  	v55 =	vld [tilespmem:s12+$0xFFFFFF80];
	v52 =	vperm.xlane v26, v1;
	(erf) = vrcp.f32 v25;
	v13 =	vadd.f32 $9.999999740e-06, v13  }
0xe0: {  	v39 =	vld [tilespmem:s0+$0xFFFFFFC0];
	v29 =	vadd.f32 v31, v29;
	v34 =	vperm.xlane v26, v2;
	(erf) = vrcp.f32 v33  }
0xe1: {  	v41 =	vld [tilespmem:s12+$0xFFFFFFC0];
	v27 =	vadd.f32 v48, v27;
	v28 =	vshra.s32 v13, $0x1;
	v13 =	vmul.f32 $5.000000000e-01, v13  }
0xe2: {  	v25 =	vld [tilespmem:s12+$0x10];
	v34 =	vmul.f32 $3.906250000e-03, v34;
	v14 =	vmul.f32 v14, v12;
	v28 =	vsub.s32 $0x5F3759DF, v28  }
0xe3: {  	v37 =	vperm.xlane v27, v2;
	v15 =	vadd.f32 v17, v15;
	v17 =	vld [tilespmem:s0+$0x10];
	v13 =	vmul.f32 v28, v13  }
0xe4: {  	v16 =	vld [tilespmem:s12+$0xFFFFFF90];
	v26 =	vperm.xlane v27, v1;
	v14 =	vsub.f32 v29, v14;
	v29 =	vmul.f32 $3.906250000e-03, v52  }
0xe5: {  	v58 =	vld [tilespmem:s0+$0x0];
	v32 =	vadd.f32 v51, v50;
	v37 =	vmul.f32 $3.906250000e-03, v37;
	v13 =	vmul.f32 v28, v13  }
0xe6: {  	v50 =	vld [tilespmem:s12+$0x0];
	v39 =	vadd.f32 v41, v39;
	v49 =	vperm.xlane v15, v1;
	v15 =	vperm.xlane v15, v2  }
0xe7: {  	v48 =	vmul.f32 v29, v29;
	v29 =	vmul.f32 v29, v12;
	v13 =	vsub.f32 $1.500000000e+00, v13  }
0xe8: {  	v15 =	vmul.f32 $3.906250000e-03, v15;
	v17 =	vadd.f32 v25, v17;
	v25 =	vmul.f32 $3.906250000e-03, v26  }
0xe9: {  	v16 =	vadd.f32 v16, v54;
	v13 =	vmul.f32 v28, v13;
	v28 =	vmul.f32 $3.906250000e-03, v49  }
0xea: {  	v33 =	vadd.f32 v55, v35;
	v26 =	vperm.xlane v17, v1;
	v38 =	vperm.xlane v17, v2  }
0xeb: {  	v44 =	vpop (erf);
	v35 =	vadd.f32 v50, v58;
	v17 =	vperm.xlane v32, v1;
	v32 =	vperm.xlane v32, v2  }
0xec: {  	v58 =	vadd.f32 $1.000000000e+00, v44;
	v49 =	vmul.f32 v25, v25;
	v25 =	vmul.f32 v25, v12  }
0xed: {  	v34 =	vsub.f32 v34, v48;
	v13 =	vmul.f32 v13, v14;
	v36 =	vmul.f32 v28, v28  }
0xee: {  	v29 =	vsub.f32 v39, v29;
	v26 =	vmul.f32 $3.906250000e-03, v26;
	v27 =	vmul.f32 $3.906250000e-03, v17  }
0xef: {  	v53 =	vld [tilespmem:s0+$0x50];
	v34 =	vadd.f32 $9.999999740e-06, v34;
	v17 =	vperm.xlane v16, v1;
	v16 =	vperm.xlane v16, v2  }
0xf0: {  	v14 =	vld [tilespmem:s12+$0x50];
	v38 =	vmul.f32 $3.906250000e-03, v38;
	v32 =	vmul.f32 $3.906250000e-03, v32;
	v37 =	vsub.f32 v37, v49  }
0xf1: {  	v28 =	vmul.f32 v28, v12;
	v13 =	vadd.f32 v13, v11;
	v43 =	vmul.f32 $3.906250000e-03, v17  }
0xf2: {  	v36 =	vsub.f32 v15, v36;
	v59 =	vmul.f32 v26, v26;
	v51 =	vmul.f32 v27, v27  }
0xf3: {  	v61 =	vld [tilespmem:s0+$0x40];
	v60 =	vmul.f32 $3.906250000e-03, v16;
	v37 =	vadd.f32 $9.999999740e-06, v37;
	v28 =	vsub.f32 v30, v28  }
0xf4: {  	v62 =	vld [tilespmem:s12+$0x40];
	v26 =	vmul.f32 v26, v12;
	v27 =	vmul.f32 v27, v12;
	v13 =	vsub.f32 $0.0e+00, v13  }
0xf5: {  	v47 =	vmul.f32 v43, v43;
	v31 =	vsub.f32 v38, v59;
	v14 =	vadd.f32 v14, v53  }
0xf6: {  	v42 =	vld [tilespmem:s0+$0xFFFFFFE0];
	v45 =	vpop (erf);
	v32 =	vsub.f32 v32, v51;
	v36 =	vadd.f32 $9.999999740e-06, v36;
	v13 =	vmul.f32 $1.442695020e+00, v13  }
0xf7: {  	v17 =	vld [tilespmem:s12+$0xFFFFFFE0];
	v43 =	vmul.f32 v43, v12;
	v59 =	vadd.f32 $1.000000000e+00, v45;
	v40 =	vperm.xlane v14, v1  }
0xf8: {  	v52 =	vld [tilespmem:s0+$0x20];
	v26 =	vsub.f32 v35, v26;
	v41 =	vsub.f32 v60, v47;
	(erf) = vpow2.f32 v13  }
0xf9: {  	v53 =	vld [tilespmem:s12+$0x20];
	v47 =	vadd.f32 v62, v61;
	v46 =	vperm.xlane v14, v2;
	v40 =	vmul.f32 $3.906250000e-03, v40  }
0xfa: {  	v57 =	vmul.f32 $5.000000000e-01, v36;
	v31 =	vadd.f32 $9.999999740e-06, v31;
	v62 =	vshra.s32 v37, $0x1  }
0xfb: {  	s14 =	sadd.s32 $0x4, s1;
	v32 =	vadd.f32 $9.999999740e-06, v32;
	v46 =	vmul.f32 $3.906250000e-03, v46;
	v54 =	vmul.f32 v40, v40  }
0xfc: {  	v42 =	vadd.f32 v17, v42;
	v30 =	vsub.s32 $0x5F3759DF, v62;
	v62 =	vmov s14;
	v13 =	vpop (erf)  }
0xfd: {  	v51 =	vshra.s32 v31, $0x1;
	v14 =	vpop (erf);
	v46 =	vsub.f32 v46, v54;
	v54 =	vadd.f32 $9.999999740e-06, v41  }
0xfe: {  	v15 =	vpop (erf);
	v41 =	vadd.f32 v53, v52;
	v52 =	vshra.s32 v32, $0x1;
	v32 =	vmul.f32 $5.000000000e-01, v32  }
0xff: {  	v16 =	vpop (erf);
	v45 =	vsub.s32 $0x5F3759DF, v52;
	v55 =	vshra.s32 v54, $0x1;
	v38 =	vmul.f32 $5.000000000e-01, v54  }
0x100: {  	v31 =	vmul.f32 $5.000000000e-01, v31;
	v17 =	vpop (erf);
	v32 =	vmul.f32 v45, v32;
	v48 =	vsub.s32 $0x5F3759DF, v55  }
0x101: {  	s6 =	sadd.s32 $0x7, s1;
	v25 =	vsub.f32 v42, v25;
	v40 =	vmul.f32 v40, v12;
	v63 =	vpop (erf);
	v21 =	vmul.f32 v48, v38  }
0x102: {  	v54 =	vmov s6;
	v32 =	vmul.f32 v45, v32;
	v49 =	vadd.f32 $1.000000000e+00, v63  }
0x103: {  	v27 =	vsub.f32 v41, v27;
	v38 =	vbroadcast v20, $0x0;
	v21 =	vmul.f32 v48, v21  }
0x104: {  	v32 =	vsub.f32 $1.500000000e+00, v32;
	(erf) = vrcp.f32 v49;
	v49 =	vshll.u32 v19, v3  }
0x105: {  	v19 =	vadd.s32 v0, v18;
	v18 =	vadd.s32 v5, v24;
	v24 =	vshra.s32 v36, $0x1  }
0x106: {  	v20 =	vadd.s32 v4, v23;
	v63 =	vmul.f32 $5.000000000e-01, v37;
	v24 =	vsub.s32 $0x5F3759DF, v24  }
0x107: {  	v21 =	vsub.f32 $1.500000000e+00, v21;
	v32 =	vmul.f32 v45, v32;
	(erf) = vrcp.f32 v58  }
0x108: {  	v23 =	vsub.f32 v33, v43;
	v33 =	vmul.f32 v24, v57;
	(erf) = vrcp.f32 v59  }
0x109: {  	v60 =	vmul.f32 v48, v21;
	v21 =	vshra.s32 v34, $0x1;
	v34 =	vmul.f32 $5.000000000e-01, v34  }
0x10a: {  	v48 =	vadd.f32 $9.999999740e-06, v46;
	v61 =	vsub.s32 $0x5F3759DF, v21;
	v33 =	vmul.f32 v24, v33  }
0x10b: {  	v21 =	vadd.s32 v6, v22;
	v22 =	vmul.f32 v61, v34;
	v34 =	vmul.f32 v30, v63  }
0x10c: {  	v53 =	vshra.s32 v48, $0x1;
	v37 =	vmul.f32 $5.000000000e-01, v48;
	v33 =	vsub.f32 $1.500000000e+00, v33  }
0x10d: {  	v23 =	vmul.f32 v60, v23;
	v39 =	vsub.s32 $0x5F3759DF, v53;
	v22 =	vmul.f32 v61, v22  }
0x10e: {  	v37 =	vmul.f32 v39, v37;
	v24 =	vmul.f32 v24, v33;
	v33 =	vsub.s32 $0x5F3759DF, v51  }
0x10f: {  	v55 =	vadd.s32 v7, v56;
	v34 =	vmul.f32 v30, v34;
	v31 =	vmul.f32 v33, v31  }
0x110: {  	v27 =	vmul.f32 v32, v27;
	v23 =	vadd.f32 v23, v11;
	v37 =	vmul.f32 v39, v37  }
0x111: {  	v22 =	vsub.f32 $1.500000000e+00, v22;
	v34 =	vsub.f32 $1.500000000e+00, v34;
	v31 =	vmul.f32 v33, v31  }
0x112: {  	v23 =	vsub.f32 $0.0e+00, v23;
	v24 =	vmul.f32 v24, v28;
	v37 =	vsub.f32 $1.500000000e+00, v37  }
0x113: {  	v22 =	vmul.f32 v61, v22;
	v30 =	vmul.f32 v30, v34;
	v31 =	vsub.f32 $1.500000000e+00, v31  }
0x114: {  	v57 =	vsub.f32 v47, v40;
	v23 =	vmul.f32 $1.442695020e+00, v23;
	v56 =	vmul.f32 v39, v37  }
0x115: {  	v27 =	vadd.f32 v27, v11;
	v22 =	vmul.f32 v22, v29;
	v31 =	vmul.f32 v33, v31  }
0x116: {  	v24 =	vadd.f32 v24, v11;
	v25 =	vmul.f32 v30, v25;
	(erf) = vpow2.f32 v23  }
0x117: {  	v23 =	vsub.f32 $0.0e+00, v27;
	v22 =	vadd.f32 v22, v11;
	v26 =	vmul.f32 v31, v26  }
0x118: {  	v24 =	vsub.f32 $0.0e+00, v24;
	v28 =	vmul.f32 v56, v57;
	v25 =	vadd.f32 v25, v11  }
0x119: {  	v58 =	vbroadcast v49, $0x0;
	v22 =	vsub.f32 $0.0e+00, v22;
	v26 =	vadd.f32 v26, v11  }
0x11a: {  	v24 =	vmul.f32 $1.442695020e+00, v24;
	v28 =	vadd.f32 v28, v11;
	v25 =	vsub.f32 $0.0e+00, v25  }
0x11b: {  	v23 =	vmul.f32 $1.442695020e+00, v23;
	v22 =	vmul.f32 $1.442695020e+00, v22;
	v26 =	vsub.f32 $0.0e+00, v26  }
0x11c: {  	s9 =	sadd.s32 $0x1, s1;
	(erf) = vpow2.f32 v24;
	v25 =	vmul.f32 $1.442695020e+00, v25;
	v24 =	vsub.f32 $0.0e+00, v28  }
0x11d: {  	v59 =	vmov s9;
	s9 =	sadd.s32 $0x5, s1;
	(erf) = vpow2.f32 v22;
	v26 =	vmul.f32 $1.442695020e+00, v26  }
0x11e: {  	s6 =	sadd.s32 $0x2, s1;
	v40 =	vmov s9;
	v24 =	vmul.f32 $1.442695020e+00, v24;
	(erf) = vpow2.f32 v25  }
0x11f: {  	s12 =	sadd.s32 $0x3, s1;
	v60 =	vmov s6;
	v34 =	vshrl.u32 v54, $0x3;
	(erf) = vpow2.f32 v26  }
0x120: {  	v61 =	vmov s12;
	s12 =	sadd.s32 $0x6, s1;
	v34 =	vshll.u32 v34, v3;
	(erf) = vpow2.f32 v23  }
0x121: {  	v41 =	vmov s12;
	v34 =	vbroadcast v34, $0x0;
	v23 =	vpop (erf);
	(erf) = vpow2.f32 v24  }
0x122: {  	v27 =	vadd.s32 v9, v58;
	v29 =	vshrl.u32 v60, $0x3;
	v30 =	vshrl.u32 v61, $0x3;
	v24 =	vpop (erf)  }
0x123: {  	[tilespmem:v19+s21+$0x0] =	vst.idx.msk $0xffff, v13;
	v29 =	vshll.u32 v29, v3;
	v13 =	vshll.u32 v30, v3;
	v33 =	vshrl.u32 v40, $0x3;
	v63 =	vpop (erf)  }
0x124: {  	[tilespmem:v21+s21+$0x0] =	vst.idx.msk $0xffff, v16;
	v16 =	vbroadcast v29, $0x0;
	v13 =	vbroadcast v13, $0x0;
	v28 =	vshrl.u32 v59, $0x3;
	v42 =	vpop (erf)  }
0x125: {  	[tilespmem:v55+s21+$0x0] =	vst.idx.msk $0xffff, v17;
	v17 =	vshll.u32 v33, v3;
	v28 =	vshll.u32 v28, v3;
	v35 =	vadd.f32 $1.000000000e+00, v42;
	v43 =	vpop (erf)  }
0x126: {  	[tilespmem:v18+s21+$0x0] =	vst.idx.msk $0xffff, v15;
	v22 =	vadd.s32 v10, v34;
	v15 =	vbroadcast v28, $0x0;
	v36 =	vadd.f32 $1.000000000e+00, v43;
	v44 =	vpop (erf)  }
0x127: {  	v25 =	vmov s1;
	v37 =	vadd.f32 $1.000000000e+00, v44;
	(erf) = vrcp.f32 v35;
	v45 =	vpop (erf)  }
0x128: {  	v25 =	vshrl.u32 v25, $0x3;
	v35 =	vadd.f32 $1.000000000e+00, v45;
	(erf) = vrcp.f32 v36;
	v47 =	vpop (erf)  }
0x129: {  	v25 =	vshll.u32 v25, v3;
	(erf) = vrcp.f32 v37;
	v19 =	vadd.f32 $1.000000000e+00, v47;
	v48 =	vpop (erf)  }
0x12a: {  	[tilespmem:v20+s21+$0x0] =	vst.idx.msk $0xffff, v14;
	v25 =	vbroadcast v25, $0x0;
	(erf) = vrcp.f32 v35;
	v20 =	vadd.f32 $1.000000000e+00, v48;
	v49 =	vpop (erf)  }
0x12b: {  	v26 =	vadd.s32 v8, v38;
	v18 =	vadd.f32 $1.000000000e+00, v49;
	(erf) = vrcp.f32 v19  }
0x12c: {  	v31 =	vshrl.u32 v62, $0x3;
	v19 =	vadd.s32 v0, v25;
	(erf) = vrcp.f32 v20  }
0x12d: {  	v14 =	vshll.u32 v31, v3;
	v15 =	vadd.s32 v4, v15;
	(erf) = vrcp.f32 v18  }
0x12e: {  	v16 =	vadd.s32 v5, v16;
	v14 =	vbroadcast v14, $0x0;
	v34 =	vshrl.u32 v41, $0x3;
	[tilespmem:v22+s21+$0x0] =	vst.idx.msk $0xffff, v23  }
0x12f: {  	v17 =	vbroadcast v17, $0x0;
	v13 =	vadd.s32 v6, v13;
	[tilespmem:v27+s21+$0x0] =	vst.idx.msk $0xffff, v63;
	v18 =	vshll.u32 v34, v3  }
0x130: {  	v14 =	vadd.s32 v7, v14;
	[tilespmem:v26+s21+$0x0] =	vst.idx.msk $0xffff, v24;
	v18 =	vbroadcast v18, $0x0;
	v20 =	vpop (erf)  }
0x131: {  	v17 =	vadd.s32 v8, v17;
	[tilespmem:v19+s21+$0x0] =	vst.idx.msk $0xffff, v20;
	v19 =	vpop (erf)  }
0x132: {  	v18 =	vadd.s32 v9, v18;
	[tilespmem:v15+s21+$0x0] =	vst.idx.msk $0xffff, v19;
	v15 =	vpop (erf)  }
0x133: {  	[tilespmem:v16+s21+$0x0] =	vst.idx.msk $0xffff, v15;
	v15 =	vpop (erf)  }
0x134: {  	[tilespmem:v13+s21+$0x0] =	vst.idx.msk $0xffff, v15;
	v13 =	vpop (erf)  }
0x135: {  	s14 =	sadd.s32 s3, s31;
	[tilespmem:v14+s21+$0x0] =	vst.idx.msk $0xffff, v13;
	v13 =	vpop (erf)  }
0x136: {  	s0 =	sshrl.u32 s14, $0x3;
	[tilespmem:v17+s21+$0x0] =	vst.idx.msk $0xffff, v13;
	v13 =	vpop (erf)  }
0x137: {  	s0 =	sadd.s32 s7, s0;
	[tilespmem:v18+s21+$0x0] =	vst.idx.msk $0xffff, v13  }
0x138: {  	[hbm4b:s0+s15] =	stream.strided.scatter [tilespmem:s21], [sflag:$0x3], $0x500, s22, s15, $0x38;
	[tilespmem:$0x8040] =	vst v63  }
0x139: {  	s1 =	sadd.s32 $0xA0, s31  }
0x13a: {  	[tilespmem:s16], [sflag:$0x1] =	stream.indirect.gather [hbm4b:s4+s15], $0x20, s1, s15, $0xb8;
	[tilespmem:$0x8040] =	vst v63  }
0x13b: {  	s6 =	sadd.s32 $0x27B0, s31  }
0x13c: {  	[tilespmem:s17], [sflag:$0x1] =	stream.indirect.gather [hbm4b:s5+s15], $0x20, s6, s15, $0xb8;
	[tilespmem:$0x8040] =	vst v63  }
0x13d: {  	_ =	swait.ge [sflag:s23], $0xA00  }
0x13e: {  	[sflag:s23] =	ssyncset.done $0x0  }
0x13f: {  	[sflag:s23] =	ssyncadd.s32 $0xFFFFF600  }
0x140: {  	_ =	swait.ge [sflag:s23], $0xA00  }
0x141: {  	[sflag:s23] =	ssyncset.done $0x0  }
0x142: {  	s0 =	simm.s32 @!p0 $0x4;
	[sflag:s23] =	ssyncadd.s32 $0xFFFFF600  }
0x143: {  	_ =	swait.ge @!p0 [sflag:s0], $0x500  }
0x144: {  	[sflag:s0] =	ssyncset.done @!p0 $0x0  }
0x145: {  	s9 =	simm.s32 $0x62A0;
	[sflag:s0] =	ssyncadd.s32 @!p0 $0xFFFFFB00  }
0x146: {  	s12 =	simm.s32 $0x6CA0;
	v13 =	vld [tilespmem:s9+$0x70]  }
0x147: {  	v14 =	vld [tilespmem:s12+$0x70]  }
0x148: {  	v15 =	vld [tilespmem:s9+$0xFFFFFFB0]  }
0x149: {  	v17 =	vld [tilespmem:s12+$0xFFFFFFB0]  }
0x14a: {  	v27 =	vld [tilespmem:s9+$0x50]  }
0x14b: {  	v51 =	vld [tilespmem:s12+$0x50]  }
0x14c: {  	v60 =	vld [tilespmem:s9+$0xFFFFFFC0]  }
0x14d: {  	v61 =	vld [tilespmem:s12+$0xFFFFFFC0]  }
0x14e: {  	v18 =	vld [tilespmem:s9+$0xFFFFFFD0]  }
0x14f: {  	v19 =	vld [tilespmem:s12+$0xFFFFFFD0]  }
0x150: {  	v20 =	vld [tilespmem:s12+$0xFFFFFFF0];
	v13 =	vadd.f32 v14, v13  }
0x151: {  	s14 =	simm.s32 $0x7;
	v22 =	vld [tilespmem:s12+$0x10];
	v15 =	vadd.f32 v17, v15;
	v27 =	vadd.f32 v51, v27  }
0x152: {  	v24 =	vld [tilespmem:s12+$0x30];
	v30 =	vadd.f32 v61, v60;
	v61 =	vmov s14;
	v21 =	vperm.xlane v13, v1  }
0x153: {  	v52 =	vld [tilespmem:s9+$0x60];
	v40 =	vshrl.u32 v61, $0x3;
	v13 =	vperm.xlane v13, v2;
	v23 =	vperm.xlane v15, v1  }
0x154: {  	v54 =	vld [tilespmem:s12+$0x60];
	v15 =	vperm.xlane v15, v2;
	v56 =	vperm.xlane v27, v1;
	v40 =	vshll.u32 v40, v3  }
0x155: {  	v14 =	vld [tilespmem:s9+$0xFFFFFFF0];
	v18 =	vadd.f32 v19, v18;
	v27 =	vperm.xlane v27, v2;
	v40 =	vbroadcast v40, $0x0  }
0x156: {  	v17 =	vld [tilespmem:s9+$0x10];
	v21 =	vmul.f32 $3.906250000e-03, v21;
	v25 =	vmul.f32 $3.906250000e-03, v13  }
0x157: {  	v19 =	vld [tilespmem:s9+$0x30];
	v13 =	vmul.f32 $3.906250000e-03, v23;
	v23 =	vperm.xlane v18, v1  }
0x158: {  	v50 =	vmul.f32 $3.906250000e-03, v15;
	v18 =	vperm.xlane v18, v2  }
0x159: {  	v29 =	vadd.f32 v54, v52;
	v33 =	vmul.f32 $3.906250000e-03, v56;
	v27 =	vmul.f32 $3.906250000e-03, v27  }
0x15a: {  	v20 =	vadd.f32 v20, v14;
	v26 =	vmul.f32 v21, v21;
	v14 =	vmul.f32 $3.906250000e-03, v23  }
0x15b: {  	v51 =	vld [tilespmem:s9+$0x0];
	v17 =	vadd.f32 v22, v17;
	v22 =	vmul.f32 v13, v13;
	v21 =	vmul.f32 v21, v12  }
0x15c: {  	v54 =	vld [tilespmem:s12+$0x0];
	v19 =	vadd.f32 v24, v19;
	v49 =	vmul.f32 v33, v33;
	v18 =	vmul.f32 $3.906250000e-03, v18  }
0x15d: {  	v13 =	vmul.f32 v13, v12;
	v23 =	vperm.xlane v20, v1  }
0x15e: {  	v20 =	vperm.xlane v20, v2;
	v53 =	vperm.xlane v19, v1;
	v15 =	vsub.f32 v25, v26  }
0x15f: {  	v19 =	vperm.xlane v19, v2;
	v22 =	vsub.f32 v50, v22;
	v21 =	vsub.f32 v29, v21  }
0x160: {  	v44 =	vmul.f32 v14, v14;
	v27 =	vsub.f32 v27, v49;
	v14 =	vmul.f32 v14, v12  }
0x161: {  	v29 =	vadd.f32 v54, v51;
	v31 =	vmul.f32 $3.906250000e-03, v53;
	v20 =	vmul.f32 $3.906250000e-03, v20  }
0x162: {  	v19 =	vmul.f32 $3.906250000e-03, v19;
	v26 =	vadd.f32 $9.999999740e-06, v15;
	v15 =	vmul.f32 $3.906250000e-03, v23  }
0x163: {  	v16 =	vld [tilespmem:s12+$0xFFFFFF90];
	v23 =	vperm.xlane v17, v1;
	v17 =	vperm.xlane v17, v2;
	v22 =	vadd.f32 $9.999999740e-06, v22  }
0x164: {  	v25 =	vld [tilespmem:s9+$0xFFFFFF90];
	v18 =	vsub.f32 v18, v44;
	v27 =	vadd.f32 $9.999999740e-06, v27;
	v48 =	vmul.f32 v31, v31  }
0x165: {  	v31 =	vmul.f32 v31, v12;
	v24 =	vshra.s32 v26, $0x1;
	v26 =	vmul.f32 $5.000000000e-01, v26  }
0x166: {  	v14 =	vsub.f32 v30, v14;
	v23 =	vmul.f32 $3.906250000e-03, v23;
	v46 =	vmul.f32 v15, v15  }
0x167: {  	v45 =	vshra.s32 v22, $0x1;
	v17 =	vmul.f32 $3.906250000e-03, v17;
	v22 =	vmul.f32 $5.000000000e-01, v22  }
0x168: {  	v18 =	vadd.f32 $9.999999740e-06, v18;
	v15 =	vmul.f32 v15, v12;
	v24 =	vsub.s32 $0x5F3759DF, v24  }
0x169: {  	v16 =	vadd.f32 v16, v25;
	v19 =	vsub.f32 v19, v48;
	v50 =	vsub.s32 $0x5F3759DF, v45  }
0x16a: {  	v25 =	vmul.f32 v24, v26;
	v47 =	vmul.f32 v23, v23;
	v20 =	vsub.f32 v20, v46  }
0x16b: {  	v52 =	vshra.s32 v18, $0x1;
	v18 =	vmul.f32 $5.000000000e-01, v18;
	v23 =	vmul.f32 v23, v12  }
0x16c: {  	v55 =	vld [tilespmem:s9+$0xFFFFFF80];
	v58 =	vperm.xlane v16, v1;
	v16 =	vperm.xlane v16, v2;
	v19 =	vadd.f32 $9.999999740e-06, v19  }
0x16d: {  	v26 =	vld [tilespmem:s12+$0xFFFFFF80];
	v32 =	vsub.s32 $0x5F3759DF, v52;
	v25 =	vmul.f32 v24, v25;
	v17 =	vsub.f32 v17, v47  }
0x16e: {  	v20 =	vadd.f32 $9.999999740e-06, v20;
	v18 =	vmul.f32 v32, v18;
	v23 =	vsub.f32 v29, v23  }
0x16f: {  	v57 =	vld [tilespmem:s9+$0xFFFFFFA0];
	v35 =	vmul.f32 $3.906250000e-03, v58;
	v16 =	vmul.f32 $3.906250000e-03, v16;
	v25 =	vsub.f32 $1.500000000e+00, v25  }
0x170: {  	v59 =	vld [tilespmem:s12+$0xFFFFFFA0];
	v17 =	vadd.f32 $9.999999740e-06, v17;
	v53 =	vshra.s32 v20, $0x1;
	v20 =	vmul.f32 $5.000000000e-01, v20  }
0x171: {  	v56 =	vld [tilespmem:s9+$0x20];
	v18 =	vmul.f32 v32, v18;
	v63 =	vmul.f32 v35, v35;
	v34 =	vsub.s32 $0x5F3759DF, v53  }
0x172: {  	v58 =	vld [tilespmem:s12+$0x20];
	v35 =	vmul.f32 v35, v12;
	v24 =	vmul.f32 v24, v25;
	v25 =	vadd.f32 v26, v55  }
0x173: {  	v55 =	vshra.s32 v17, $0x1;
	v17 =	vmul.f32 $5.000000000e-01, v17;
	v20 =	vmul.f32 v34, v20  }
0x174: {  	v18 =	vsub.f32 $1.500000000e+00, v18;
	v16 =	vsub.f32 v16, v63;
	v37 =	vsub.s32 $0x5F3759DF, v55  }
0x175: {  	v21 =	vmul.f32 v24, v21;
	v24 =	vadd.f32 v59, v57;
	v57 =	vshra.s32 v19, $0x1  }
0x176: {  	v19 =	vmul.f32 $5.000000000e-01, v19;
	v59 =	vshra.s32 v27, $0x1;
	v27 =	vmul.f32 $5.000000000e-01, v27  }
0x177: {  	v62 =	vld [tilespmem:s9+$0xFFFFFFE0];
	v17 =	vmul.f32 v37, v17;
	v38 =	vadd.f32 v58, v56;
	v21 =	vadd.f32 v21, v11  }
0x178: {  	v26 =	vld [tilespmem:s12+$0xFFFFFFE0];
	v20 =	vmul.f32 v34, v20;
	v25 =	vsub.f32 v25, v35;
	v18 =	vmul.f32 v32, v18  }
0x179: {  	v39 =	vsub.s32 $0x5F3759DF, v57;
	v41 =	vsub.s32 $0x5F3759DF, v59;
	v21 =	vsub.f32 $0.0e+00, v21  }
0x17a: {  	v16 =	vadd.f32 $9.999999740e-06, v16;
	v19 =	vmul.f32 v39, v19;
	v27 =	vmul.f32 v41, v27  }
0x17b: {  	v17 =	vmul.f32 v37, v17;
	v20 =	vsub.f32 $1.500000000e+00, v20;
	v21 =	vmul.f32 $1.442695020e+00, v21  }
0x17c: {  	v13 =	vsub.f32 v24, v13;
	v14 =	vmul.f32 v18, v14;
	v19 =	vmul.f32 v39, v19  }
0x17d: {  	v26 =	vadd.f32 v26, v62;
	v27 =	vmul.f32 v41, v27;
	(erf) = vpow2.f32 v21  }
0x17e: {  	v21 =	vmul.f32 v50, v22;
	v22 =	vshra.s32 v16, $0x1;
	v16 =	vmul.f32 $5.000000000e-01, v16  }
0x17f: {  	v17 =	vsub.f32 $1.500000000e+00, v17;
	v20 =	vmul.f32 v34, v20;
	v22 =	vsub.s32 $0x5F3759DF, v22  }
0x180: {  	v14 =	vadd.f32 v14, v11;
	v15 =	vsub.f32 v26, v15;
	v16 =	vmul.f32 v22, v16  }
0x181: {  	v19 =	vsub.f32 $1.500000000e+00, v19;
	v27 =	vsub.f32 $1.500000000e+00, v27;
	v17 =	vmul.f32 v37, v17  }
0x182: {  	v14 =	vsub.f32 $0.0e+00, v14;
	v15 =	vmul.f32 v20, v15;
	v16 =	vmul.f32 v22, v16  }
0x183: {  	v20 =	vadd.s32 v10, v40;
	v17 =	vmul.f32 v17, v23;
	v21 =	vmul.f32 v50, v21  }
0x184: {  	v63 =	vld [tilespmem:s12+$0x40];
	v19 =	vmul.f32 v39, v19;
	v15 =	vadd.f32 v15, v11;
	v16 =	vsub.f32 $1.500000000e+00, v16  }
0x185: {  	v62 =	vld [tilespmem:s9+$0x40];
	v24 =	vmul.f32 v41, v27;
	v17 =	vadd.f32 v17, v11;
	v21 =	vsub.f32 $1.500000000e+00, v21  }
0x186: {  	s9 =	simm.s32 $0x3;
	v14 =	vmul.f32 $1.442695020e+00, v14;
	v15 =	vsub.f32 $0.0e+00, v15;
	v16 =	vmul.f32 v22, v16  }
0x187: {  	v23 =	vmov s9;
	v17 =	vsub.f32 $0.0e+00, v17;
	v21 =	vmul.f32 v50, v21;
	v60 =	vpop (erf)  }
0x188: {  	v15 =	vmul.f32 $1.442695020e+00, v15;
	v36 =	vadd.f32 $1.000000000e+00, v60;
	v16 =	vmul.f32 v16, v25  }
0x189: {  	v22 =	vmul.f32 v33, v12;
	v13 =	vmul.f32 v21, v13;
	v25 =	vsub.f32 v38, v31  }
0x18a: {  	(erf) = vrcp.f32 v36;
	v36 =	vadd.f32 v63, v62;
	v16 =	vadd.f32 v16, v11  }
0x18b: {  	s31 =	simm.s32 $0x0;
	v17 =	vmul.f32 $1.442695020e+00, v17;
	v13 =	vadd.f32 v13, v11;
	v19 =	vmul.f32 v19, v25  }
0x18c: {  	v21 =	vmov s31;
	v18 =	vsub.f32 v36, v22;
	v16 =	vsub.f32 $0.0e+00, v16  }
0x18d: {  	s1 =	simm.s32 $0x1;
	v21 =	vshrl.u32 v21, $0x3;
	v13 =	vsub.f32 $0.0e+00, v13;
	v19 =	vadd.f32 v19, v11  }
0x18e: {  	v22 =	vmov s1;
	v18 =	vmul.f32 v24, v18;
	v16 =	vmul.f32 $1.442695020e+00, v16  }
0x18f: {  	s14 =	simm.s32 $0x5;
	v13 =	vmul.f32 $1.442695020e+00, v13;
	v22 =	vshrl.u32 v22, $0x3;
	v19 =	vsub.f32 $0.0e+00, v19  }
0x190: {  	v24 =	vmov s14;
	v18 =	vadd.f32 v18, v11;
	(erf) = vpow2.f32 v16  }
0x191: {  	s6 =	simm.s32 $0x2;
	v25 =	vshrl.u32 v24, $0x3;
	v19 =	vmul.f32 $1.442695020e+00, v19;
	(erf) = vpow2.f32 v13  }
0x192: {  	s12 =	simm.s32 $0x4;
	v16 =	vmov s6;
	v18 =	vsub.f32 $0.0e+00, v18;
	(erf) = vpow2.f32 v14  }
0x193: {  	v13 =	vmov s12;
	v16 =	vshrl.u32 v16, $0x3;
	(erf) = vpow2.f32 v15  }
0x194: {  	s31 =	simm.s32 $0x6;
	v14 =	vshll.u32 v21, v3;
	v18 =	vmul.f32 $1.442695020e+00, v18;
	(erf) = vpow2.f32 v17  }
0x195: {  	v21 =	vmov s31;
	v13 =	vshrl.u32 v13, $0x3;
	(erf) = vpow2.f32 v19  }
0x196: {  	s12 =	simm.s32 $0x6DA0;
	v24 =	vshll.u32 v16, v3;
	v15 =	vpop (erf);
	v17 =	vshrl.u32 v23, $0x3;
	(erf) = vpow2.f32 v18  }
0x197: {  	s0 =	simm.s32 $0x63A0;
	v16 =	vld [tilespmem:s12+$0x70];
	[tilespmem:v20+s24+$0x0] =	vst.idx.msk $0xffff, v15;
	v23 =	vshll.u32 v22, v3;
	v20 =	vshll.u32 v25, v3;
	v19 =	vshrl.u32 v21, $0x3  }
0x198: {  	s1 =	simm.s32 $0x8;
	s14 =	simm.s32 $0x10;
	v15 =	vld [tilespmem:s0+$0x70];
	v22 =	vshll.u32 v17, v3;
	v21 =	vshll.u32 v13, v3;
	v18 =	vbroadcast v14, $0x0  }
.LBB2_5:
0x199: {  	p0 =	slt.u32 s14, $0x48;
	v25 =	vld [tilespmem:s12+$0xFFFFFF90];
	v17 =	vbroadcast v23, $0x0;
	v23 =	vbroadcast v24, $0x0;
	v13 =	vshll.u32 v19, v3;
	v14 =	vpop (erf)  }
0x19a: {  	v22 =	vbroadcast v22, $0x0;
	v21 =	vbroadcast v21, $0x0;
	v19 =	vld [tilespmem:s0+$0xFFFFFFB0];
	v24 =	vadd.f32 $1.000000000e+00, v14;
	v14 =	vpop (erf)  }
0x19b: {  	v27 =	vadd.s32 v0, v18;
	v26 =	vld [tilespmem:s12+$0xFFFFFFB0];
	v18 =	vadd.f32 $1.000000000e+00, v14;
	v14 =	vbroadcast v20, $0x0;
	v20 =	vpop (erf)  }
0x19c: {  	v29 =	vadd.s32 v4, v17;
	v28 =	vld [tilespmem:s0+$0xFFFFFFD0];
	v17 =	vadd.f32 $1.000000000e+00, v20;
	(erf) = vrcp.f32 v24;
	v20 =	vpop (erf)  }
0x19d: {  	v24 =	vld [tilespmem:s12+$0xFFFFFFD0];
	v30 =	vadd.f32 v16, v15;
	v32 =	vadd.f32 $1.000000000e+00, v20;
	(erf) = vrcp.f32 v18;
	v15 =	vpop (erf)  }
0x19e: {  	v20 =	vadd.s32 v5, v23;
	v18 =	vld [tilespmem:s0+$0xFFFFFFF0];
	v23 =	vadd.f32 $1.000000000e+00, v15;
	(erf) = vrcp.f32 v17;
	v15 =	vpop (erf)  }
0x19f: {  	v31 =	vld [tilespmem:s12+$0xFFFFFFF0];
	v17 =	vperm.xlane v30, v1;
	v15 =	vadd.f32 $1.000000000e+00, v15;
	(erf) = vrcp.f32 v32;
	v16 =	vpop (erf)  }
0x1a0: {  	v19 =	vadd.f32 v26, v19;
	v26 =	vld [tilespmem:s0+$0x10];
	v16 =	vadd.f32 $1.000000000e+00, v16;
	(erf) = vrcp.f32 v23  }
0x1a1: {  	v22 =	vadd.s32 v6, v22;
	v30 =	vperm.xlane v30, v2;
	v23 =	vld [tilespmem:s12+$0x10];
	v32 =	vmul.f32 $3.906250000e-03, v17  }
0x1a2: {  	v17 =	vperm.xlane v19, v1;
	v19 =	vperm.xlane v19, v2;
	v24 =	vadd.f32 v24, v28;
	v28 =	vld [tilespmem:s0+$0x30]  }
0x1a3: {  	v21 =	vadd.s32 v7, v21;
	v39 =	vmul.f32 $3.906250000e-03, v30;
	v33 =	vld [tilespmem:s12+$0x30];
	v34 =	vmul.f32 v32, v32  }
0x1a4: {  	v17 =	vmul.f32 $3.906250000e-03, v17;
	v35 =	vperm.xlane v24, v1;
	v31 =	vadd.f32 v31, v18;
	v36 =	vld [tilespmem:s0+$0x50]  }
0x1a5: {  	v37 =	vmul.f32 $3.906250000e-03, v19;
	v38 =	vperm.xlane v24, v2;
	v24 =	vld [tilespmem:s12+$0x50];
	v19 =	vsub.f32 v39, v34;
	v30 =	vpop (erf)  }
0x1a6: {  	v34 =	vld [tilespmem:s0+$0xFFFFFF90];
	v18 =	vmul.f32 $3.906250000e-03, v35;
	v35 =	vperm.xlane v31, v1;
	v23 =	vadd.f32 v23, v26;
	[tilespmem:v27+s24+$0x0] =	vst.idx.msk $0xffff, v30;
	v26 =	vpop (erf)  }
0x1a7: {  	v30 =	vmul.f32 v17, v17;
	v31 =	vperm.xlane v31, v2;
	v27 =	vld [tilespmem:s0+$0xFFFFFF80];
	v39 =	vadd.f32 $9.999999740e-06, v19;
	[tilespmem:v29+s24+$0x0] =	vst.idx.msk $0xffff, v26;
	v26 =	vpop (erf)  }
0x1a8: {  	v29 =	vld [tilespmem:s12+$0xFFFFFF80];
	v19 =	vmul.f32 $3.906250000e-03, v35;
	v35 =	vperm.xlane v23, v1;
	v28 =	vadd.f32 v33, v28;
	[tilespmem:v20+s24+$0x0] =	vst.idx.msk $0xffff, v26;
	v20 =	vpop (erf)  }
0x1a9: {  	v26 =	vperm.xlane v23, v2;
	v23 =	vshra.s32 v39, $0x1;
	v33 =	vmul.f32 $5.000000000e-01, v39;
	v39 =	vld [tilespmem:s0+$0x60];
	[tilespmem:v22+s24+$0x0] =	vst.idx.msk $0xffff, v20;
	v20 =	vpop (erf)  }
0x1aa: {  	v22 =	vperm.xlane v28, v1;
	v24 =	vadd.f32 v24, v36;
	v36 =	vsub.s32 $0x5F3759DF, v23;
	v40 =	vld [tilespmem:s12+$0x60];
	[tilespmem:v21+s24+$0x0] =	vst.idx.msk $0xffff, v20  }
0x1ab: {  	v20 =	vmul.f32 $3.906250000e-03, v35;
	v23 =	vadd.f32 v25, v34;
	v25 =	vld [tilespmem:s0+$0xFFFFFFA0];
	v33 =	vmul.f32 v36, v33  }
0x1ac: {  	v30 =	vsub.f32 v37, v30;
	v34 =	vld [tilespmem:s12+$0xFFFFFFA0];
	v21 =	vmul.f32 $3.906250000e-03, v22;
	v35 =	vperm.xlane v24, v1  }
0x1ad: {  	v37 =	vperm.xlane v23, v1;
	v22 =	vadd.f32 v29, v27;
	v27 =	vld [tilespmem:s0+$0xFFFFFFC0];
	v29 =	vmul.f32 v36, v33  }
0x1ae: {  	v30 =	vadd.f32 $9.999999740e-06, v30;
	v33 =	vperm.xlane v23, v2;
	v41 =	vld [tilespmem:s12+$0xFFFFFFC0];
	v23 =	vmul.f32 $3.906250000e-03, v35  }
0x1af: {  	v32 =	vmul.f32 v32, v12;
	v35 =	vld [tilespmem:s0+$0xFFFFFFE0];
	v29 =	vsub.f32 $1.500000000e+00, v29;
	v39 =	vadd.f32 v40, v39  }
0x1b0: {  	v28 =	vperm.xlane v28, v2;
	v37 =	vmul.f32 $3.906250000e-03, v37;
	v40 =	vshra.s32 v30, $0x1;
	v42 =	vld [tilespmem:s12+$0xFFFFFFE0]  }
0x1b1: {  	v44 =	vperm.xlane v24, v2;
	v43 =	vld [tilespmem:s0+$0x0];
	v29 =	vmul.f32 v36, v29;
	v32 =	vsub.f32 v39, v32  }
0x1b2: {  	v24 =	vsub.s32 $0x5F3759DF, v40;
	v36 =	vmul.f32 v37, v37;
	v39 =	vmul.f32 v18, v18;
	v40 =	vld [tilespmem:s12+$0x0]  }
0x1b3: {  	v25 =	vadd.f32 v34, v25;
	v34 =	vmul.f32 v19, v19;
	v45 =	vld [tilespmem:s0+$0x20];
	v29 =	vmul.f32 v29, v32  }
0x1b4: {  	v27 =	vadd.f32 v41, v27;
	v32 =	vmul.f32 v20, v20;
	v41 =	vmul.f32 v21, v21;
	v46 =	vld [tilespmem:s12+$0x20]  }
0x1b5: {  	v33 =	vmul.f32 $3.906250000e-03, v33;
	v47 =	vmul.f32 v23, v23;
	v48 =	vld [tilespmem:s0+$0x40];
	v29 =	vadd.f32 v29, v11  }
0x1b6: {  	v38 =	vmul.f32 $3.906250000e-03, v38;
	v31 =	vmul.f32 $3.906250000e-03, v31;
	v35 =	vadd.f32 v42, v35;
	v42 =	vld [tilespmem:s12+$0x40]  }
0x1b7: {  	v26 =	vmul.f32 $3.906250000e-03, v26;
	v28 =	vmul.f32 $3.906250000e-03, v28;
	v29 =	vsub.f32 $0.0e+00, v29  }
0x1b8: {  	v33 =	vsub.f32 v33, v36;
	v36 =	vsub.f32 v38, v39;
	v38 =	vmul.f32 $3.906250000e-03, v44  }
0x1b9: {  	v31 =	vsub.f32 v31, v34;
	v26 =	vsub.f32 v26, v32;
	v29 =	vmul.f32 $1.442695020e+00, v29  }
0x1ba: {  	v30 =	vmul.f32 $5.000000000e-01, v30;
	v28 =	vsub.f32 v28, v41;
	v32 =	vsub.f32 v38, v47  }
0x1bb: {  	v33 =	vadd.f32 $9.999999740e-06, v33;
	v34 =	vadd.f32 $9.999999740e-06, v36;
	(erf) = vpow2.f32 v29  }
0x1bc: {  	v26 =	vadd.f32 $9.999999740e-06, v26;
	v29 =	vmul.f32 v24, v30;
	v30 =	vadd.f32 $9.999999740e-06, v31  }
0x1bd: {  	v28 =	vadd.f32 $9.999999740e-06, v28;
	v32 =	vadd.f32 $9.999999740e-06, v32;
	v31 =	vshra.s32 v33, $0x1  }
0x1be: {  	v36 =	vshra.s32 v34, $0x1;
	v34 =	vmul.f32 $5.000000000e-01, v34;
	v33 =	vmul.f32 $5.000000000e-01, v33  }
0x1bf: {  	v39 =	vshra.s32 v26, $0x1;
	v38 =	vshra.s32 v30, $0x1;
	v30 =	vmul.f32 $5.000000000e-01, v30  }
0x1c0: {  	v26 =	vmul.f32 $5.000000000e-01, v26;
	v41 =	vshra.s32 v28, $0x1;
	v28 =	vmul.f32 $5.000000000e-01, v28  }
0x1c1: {  	v44 =	vshra.s32 v32, $0x1;
	v32 =	vmul.f32 $5.000000000e-01, v32;
	v31 =	vsub.s32 $0x5F3759DF, v31  }
0x1c2: {  	v36 =	vsub.s32 $0x5F3759DF, v36;
	v39 =	vsub.s32 $0x5F3759DF, v39;
	v38 =	vsub.s32 $0x5F3759DF, v38  }
0x1c3: {  	v41 =	vsub.s32 $0x5F3759DF, v41;
	v44 =	vsub.s32 $0x5F3759DF, v44;
	v33 =	vmul.f32 v31, v33  }
0x1c4: {  	v40 =	vadd.f32 v40, v43;
	v34 =	vmul.f32 v36, v34;
	v30 =	vmul.f32 v38, v30;
	v43 =	vpop (erf)  }
0x1c5: {  	v26 =	vmul.f32 v39, v26;
	v28 =	vmul.f32 v41, v28;
	v43 =	vadd.f32 $1.000000000e+00, v43  }
0x1c6: {  	s6 =	sadd.s32 $0x7, s1;
	v45 =	vadd.f32 v46, v45;
	v32 =	vmul.f32 v44, v32;
	v33 =	vmul.f32 v31, v33  }
0x1c7: {  	v46 =	vmov s6;
	v29 =	vmul.f32 v24, v29;
	(erf) = vrcp.f32 v43  }
0x1c8: {  	v34 =	vmul.f32 v36, v34;
	v30 =	vmul.f32 v38, v30;
	v43 =	vshrl.u32 v46, $0x3  }
0x1c9: {  	v26 =	vmul.f32 v39, v26;
	v28 =	vmul.f32 v41, v28;
	v43 =	vshll.u32 v43, v3  }
0x1ca: {  	v32 =	vmul.f32 v44, v32;
	v33 =	vsub.f32 $1.500000000e+00, v33;
	v43 =	vbroadcast v43, $0x0  }
0x1cb: {  	v37 =	vmul.f32 v37, v12;
	v34 =	vsub.f32 $1.500000000e+00, v34;
	v29 =	vsub.f32 $1.500000000e+00, v29  }
0x1cc: {  	v26 =	vsub.f32 $1.500000000e+00, v26;
	v30 =	vsub.f32 $1.500000000e+00, v30;
	v43 =	vadd.s32 v10, v43  }
0x1cd: {  	v17 =	vmul.f32 v17, v12;
	v28 =	vsub.f32 $1.500000000e+00, v28;
	v32 =	vsub.f32 $1.500000000e+00, v32  }
0x1ce: {  	v18 =	vmul.f32 v18, v12;
	v19 =	vmul.f32 v19, v12;
	v42 =	vadd.f32 v42, v48  }
0x1cf: {  	v22 =	vsub.f32 v22, v37;
	v20 =	vmul.f32 v20, v12;
	v21 =	vmul.f32 v21, v12  }
0x1d0: {  	v23 =	vmul.f32 v23, v12;
	v17 =	vsub.f32 v25, v17;
	v31 =	vmul.f32 v31, v33;
	v25 =	vpop (erf)  }
0x1d1: {  	v24 =	vmul.f32 v24, v29;
	v29 =	vmul.f32 v36, v34;
	v33 =	vmov s1;
	[tilespmem:v43+s24+$0x0] =	vst.idx.msk $0xffff, v25  }
0x1d2: {  	v18 =	vsub.f32 v27, v18;
	v26 =	vmul.f32 v39, v26;
	v25 =	vmul.f32 v38, v30  }
0x1d3: {  	v19 =	vsub.f32 v35, v19;
	v27 =	vmul.f32 v41, v28;
	v28 =	vmul.f32 v44, v32  }
0x1d4: {  	v20 =	vsub.f32 v40, v20;
	v21 =	vsub.f32 v45, v21;
	v22 =	vmul.f32 v31, v22  }
0x1d5: {  	v23 =	vsub.f32 v42, v23;
	v17 =	vmul.f32 v24, v17;
	v18 =	vmul.f32 v29, v18  }
0x1d6: {  	v20 =	vmul.f32 v26, v20;
	v22 =	vadd.f32 v22, v11;
	v19 =	vmul.f32 v25, v19  }
0x1d7: {  	v21 =	vmul.f32 v27, v21;
	v23 =	vmul.f32 v28, v23;
	v17 =	vadd.f32 v17, v11  }
0x1d8: {  	v18 =	vadd.f32 v18, v11;
	v19 =	vadd.f32 v19, v11;
	(erf) = vrcp.f32 v15  }
0x1d9: {  	v15 =	vadd.f32 v20, v11;
	v20 =	vadd.f32 v21, v11;
	(erf) = vrcp.f32 v16  }
0x1da: {  	v13 =	vbroadcast v13, $0x0;
	v21 =	vadd.f32 v23, v11;
	v16 =	vsub.f32 $0.0e+00, v22  }
0x1db: {  	v14 =	vadd.s32 v8, v14;
	v17 =	vsub.f32 $0.0e+00, v17;
	v18 =	vsub.f32 $0.0e+00, v18  }
0x1dc: {  	v19 =	vsub.f32 $0.0e+00, v19;
	v15 =	vsub.f32 $0.0e+00, v15;
	v16 =	vmul.f32 $1.442695020e+00, v16  }
0x1dd: {  	v17 =	vmul.f32 $1.442695020e+00, v17;
	v20 =	vsub.f32 $0.0e+00, v20;
	v21 =	vsub.f32 $0.0e+00, v21  }
0x1de: {  	v13 =	vadd.s32 v9, v13;
	v18 =	vmul.f32 $1.442695020e+00, v18;
	v19 =	vmul.f32 $1.442695020e+00, v19  }
0x1df: {  	s6 =	sadd.s32 $0x1, s1;
	v22 =	vshrl.u32 v33, $0x3;
	v15 =	vmul.f32 $1.442695020e+00, v15;
	v20 =	vmul.f32 $1.442695020e+00, v20  }
0x1e0: {  	s9 =	sadd.s32 $0x3, s1;
	v23 =	vmov s6;
	s6 =	sadd.s32 $0x2, s1;
	v21 =	vmul.f32 $1.442695020e+00, v21;
	(erf) = vpow2.f32 v16  }
0x1e1: {  	v24 =	vmov s9;
	s9 =	sadd.s32 $0x5, s1;
	v16 =	vmov s6;
	s6 =	sadd.s32 $0x4, s1;
	(erf) = vpow2.f32 v17;
	v17 =	vpop (erf)  }
0x1e2: {  	v26 =	vmov s9;
	v25 =	vmov s6;
	s6 =	sadd.s32 $0x6, s1;
	s1 =	smov.u32 s14;
	(erf) = vpow2.f32 v18;
	[tilespmem:v14+s24+$0x0] =	vst.idx.msk $0xffff, v17;
	v14 =	vpop (erf)  }
0x1e3: {  	v17 =	vshll.u32 v22, v3;
	v18 =	vmov s6;
	(erf) = vpow2.f32 v19;
	[tilespmem:v13+s24+$0x0] =	vst.idx.msk $0xffff, v14  }
.Ltmp1:
0x1e4: {  	v13 =	vshrl.u32 v23, $0x3;
	v14 =	vshrl.u32 v16, $0x3;
	(erf) = vpow2.f32 v15;
	(pc) =	sbr.rel @p0 .LBB2_5-.Ltmp1, $4  }
0x1e5: {  	v22 =	vshrl.u32 v24, $0x3;
	v25 =	vshrl.u32 v25, $0x3;
	(erf) = vpow2.f32 v20  }
0x1e6: {  	s0 =	sadd.s32 $0x100, s0;
	v19 =	vshrl.u32 v18, $0x3;
	v20 =	vshrl.u32 v26, $0x3;
	(erf) = vpow2.f32 v21  }
0x1e7: {  	s12 =	sadd.s32 $0x100, s12;
	v18 =	vbroadcast v17, $0x0;
	v23 =	vshll.u32 v13, v3;
	v24 =	vshll.u32 v14, v3;
	v15 =	vld [tilespmem:s0+$0x70]  }
0x1e8: {  	s14 =	sadd.s32 $0x8, s14;
	v22 =	vshll.u32 v22, v3;
	v21 =	vshll.u32 v25, v3;
	v20 =	vshll.u32 v20, v3;
	v16 =	vld [tilespmem:s12+$0x70]  }
0x1e9: {  	v43 =	vld [tilespmem:s12+$0xFFFFFF90]  }
0x1ea: {  	v26 =	vld [tilespmem:s0+$0xFFFFFFD0]  }
0x1eb: {  	v29 =	vld [tilespmem:s0+$0x60]  }
0x1ec: {  	v31 =	vld [tilespmem:s12+$0x60]  }
0x1ed: {  	v32 =	vld [tilespmem:s12+$0xFFFFFFD0]  }
0x1ee: {  	v25 =	vpop (erf);
	v45 =	vld [tilespmem:s0+$0xFFFFFFF0]  }
0x1ef: {  	v46 =	vld [tilespmem:s12+$0xFFFFFFF0];
	v25 =	vadd.f32 $1.000000000e+00, v25;
	v27 =	vpop (erf)  }
0x1f0: {  	v50 =	vld [tilespmem:s0+$0x30];
	v27 =	vadd.f32 $1.000000000e+00, v27;
	v30 =	vpop (erf)  }
0x1f1: {  	v51 =	vld [tilespmem:s12+$0x30];
	v23 =	vbroadcast v23, $0x0;
	v30 =	vadd.f32 $1.000000000e+00, v30;
	(erf) = vrcp.f32 v25  }
0x1f2: {  	v54 =	vld [tilespmem:s0+$0xFFFFFF90];
	v24 =	vbroadcast v24, $0x0;
	v44 =	vpop (erf);
	v13 =	vadd.f32 v16, v15;
	(erf) = vrcp.f32 v27  }
0x1f3: {  	v35 =	vld [tilespmem:s0+$0xFFFFFF80];
	v22 =	vbroadcast v22, $0x0;
	v25 =	vadd.f32 $1.000000000e+00, v44;
	v33 =	vpop (erf);
	(erf) = vrcp.f32 v30  }
0x1f4: {  	v59 =	vld [tilespmem:s0+$0xFFFFFFA0];
	v33 =	vadd.f32 $1.000000000e+00, v33;
	v26 =	vadd.f32 v32, v26;
	v14 =	vperm.xlane v13, v1  }
0x1f5: {  	v60 =	vld [tilespmem:s12+$0xFFFFFFA0];
	v27 =	vadd.f32 v46, v45;
	v13 =	vperm.xlane v13, v2;
	(erf) = vrcp.f32 v25  }
0x1f6: {  	v39 =	vld [tilespmem:s0+$0xFFFFFFC0];
	v32 =	vadd.f32 v51, v50;
	(erf) = vrcp.f32 v33;
	v52 =	vperm.xlane v26, v1  }
0x1f7: {  	v41 =	vld [tilespmem:s12+$0xFFFFFFC0];
	v16 =	vadd.f32 v43, v54;
	v34 =	vperm.xlane v26, v2;
	v55 =	vperm.xlane v27, v1  }
0x1f8: {  	v56 =	vld [tilespmem:s12+$0xFFFFFF80];
	v37 =	vperm.xlane v27, v2;
	v58 =	vperm.xlane v32, v1  }
0x1f9: {  	v63 =	vld [tilespmem:s0+$0x0];
	v61 =	vperm.xlane v16, v1;
	v16 =	vperm.xlane v16, v2  }
0x1fa: {  	v29 =	vadd.f32 v31, v29;
	v50 =	vld [tilespmem:s12+$0x0];
	v32 =	vperm.xlane v32, v2;
	v14 =	vmul.f32 $3.906250000e-03, v14  }
0x1fb: {  	v17 =	vld [tilespmem:s12+$0xFFFFFFB0];
	v30 =	vadd.f32 v60, v59;
	v13 =	vmul.f32 $3.906250000e-03, v13;
	v25 =	vmul.f32 $3.906250000e-03, v55  }
0x1fc: {  	v47 =	vld [tilespmem:s0+$0x10];
	v39 =	vadd.f32 v41, v39;
	v27 =	vmul.f32 $3.906250000e-03, v58;
	v15 =	vmul.f32 v14, v14  }
0x1fd: {  	v48 =	vld [tilespmem:s12+$0x10];
	v33 =	vadd.f32 v56, v35;
	v43 =	vmul.f32 $3.906250000e-03, v61;
	v58 =	vmul.f32 $3.906250000e-03, v16  }
0x1fe: {  	v34 =	vmul.f32 $3.906250000e-03, v34;
	v37 =	vmul.f32 $3.906250000e-03, v37;
	v13 =	vsub.f32 v13, v15;
	v15 =	vld [tilespmem:s0+$0xFFFFFFB0]  }
0x1ff: {  	v42 =	vld [tilespmem:s0+$0xFFFFFFE0];
	v32 =	vmul.f32 $3.906250000e-03, v32;
	v14 =	vmul.f32 v14, v12;
	v35 =	vadd.f32 v50, v63  }
0x200: {  	v62 =	vld [tilespmem:s12+$0xFFFFFFE0];
	v50 =	vbroadcast v21, $0x0;
	v51 =	vmul.f32 v27, v27;
	v13 =	vadd.f32 $9.999999740e-06, v13  }
0x201: {  	v27 =	vmul.f32 v27, v12;
	v14 =	vsub.f32 v29, v14;
	v29 =	vmul.f32 $3.906250000e-03, v52  }
0x202: {  	v59 =	vld [tilespmem:s0+$0x40];
	v32 =	vsub.f32 v32, v51;
	v28 =	vshra.s32 v13, $0x1;
	v13 =	vmul.f32 $5.000000000e-01, v13  }
0x203: {  	v60 =	vld [tilespmem:s12+$0x40];
	v15 =	vadd.f32 v17, v15;
	v17 =	vadd.f32 v48, v47;
	v47 =	vmul.f32 v43, v43  }
0x204: {  	v28 =	vsub.s32 $0x5F3759DF, v28;
	v48 =	vmul.f32 v29, v29;
	v43 =	vmul.f32 v43, v12  }
0x205: {  	v42 =	vadd.f32 v62, v42;
	v29 =	vmul.f32 v29, v12;
	v13 =	vmul.f32 v28, v13  }
0x206: {  	v32 =	vadd.f32 $9.999999740e-06, v32;
	v49 =	vperm.xlane v15, v1;
	v15 =	vperm.xlane v15, v2  }
0x207: {  	v57 =	vperm.xlane v17, v1;
	v38 =	vperm.xlane v17, v2;
	v34 =	vsub.f32 v34, v48  }
0x208: {  	v41 =	vsub.f32 v58, v47;
	v47 =	vadd.f32 v60, v59;
	v13 =	vmul.f32 v28, v13  }
0x209: {  	v29 =	vsub.f32 v39, v29;
	v26 =	vmul.f32 $3.906250000e-03, v57;
	v34 =	vadd.f32 $9.999999740e-06, v34  }
0x20a: {  	v15 =	vmul.f32 $3.906250000e-03, v15;
	v38 =	vmul.f32 $3.906250000e-03, v38;
	v13 =	vsub.f32 $1.500000000e+00, v13  }
0x20b: {  	v57 =	vmul.f32 v26, v26;
	v59 =	vshra.s32 v34, $0x1;
	v34 =	vmul.f32 $5.000000000e-01, v34  }
0x20c: {  	v63 =	vadd.f32 $9.999999740e-06, v41;
	v26 =	vmul.f32 v26, v12;
	v13 =	vmul.f32 v28, v13  }
0x20d: {  	v44 =	vpop (erf);
	v28 =	vmul.f32 $3.906250000e-03, v49;
	v49 =	vmul.f32 v25, v25;
	v60 =	vsub.s32 $0x5F3759DF, v59  }
0x20e: {  	v53 =	vld [tilespmem:s0+$0x50];
	v45 =	vpop (erf);
	v25 =	vmul.f32 v25, v12;
	v31 =	vsub.f32 v38, v57;
	v38 =	vmul.f32 $5.000000000e-01, v63  }
0x20f: {  	v57 =	vadd.f32 $1.000000000e+00, v45;
	v26 =	vsub.f32 v35, v26;
	v13 =	vmul.f32 v13, v14;
	v14 =	vld [tilespmem:s12+$0x50]  }
0x210: {  	v36 =	vmul.f32 v28, v28;
	v37 =	vsub.f32 v37, v49;
	v49 =	vshll.u32 v19, v3  }
0x211: {  	v19 =	vadd.s32 v0, v18;
	v25 =	vsub.f32 v42, v25;
	v13 =	vadd.f32 v13, v11  }
0x212: {  	v18 =	vadd.s32 v5, v24;
	v31 =	vadd.f32 $9.999999740e-06, v31;
	v36 =	vsub.f32 v15, v36  }
0x213: {  	s31 =	sadd.s32 $0x3, s1;
	v52 =	vld [tilespmem:s0+$0x20];
	v28 =	vmul.f32 v28, v12;
	v37 =	vadd.f32 $9.999999740e-06, v37;
	v13 =	vsub.f32 $0.0e+00, v13  }
0x214: {  	v42 =	vmov s31;
	v36 =	vadd.f32 $9.999999740e-06, v36;
	v14 =	vadd.f32 v14, v53;
	v53 =	vld [tilespmem:s12+$0x20]  }
0x215: {  	v28 =	vsub.f32 v30, v28;
	v51 =	vshra.s32 v31, $0x1;
	v31 =	vmul.f32 $5.000000000e-01, v31  }
0x216: {  	v13 =	vmul.f32 $1.442695020e+00, v13;
	v55 =	vshra.s32 v36, $0x1;
	v40 =	vperm.xlane v14, v1  }
0x217: {  	v56 =	vmul.f32 $5.000000000e-01, v36;
	v36 =	vadd.f32 $1.000000000e+00, v44;
	v46 =	vperm.xlane v14, v2  }
0x218: {  	v24 =	vsub.s32 $0x5F3759DF, v55;
	(erf) = vpow2.f32 v13;
	v40 =	vmul.f32 $3.906250000e-03, v40  }
0x219: {  	v46 =	vmul.f32 $3.906250000e-03, v46;
	v41 =	vadd.f32 v53, v52;
	v53 =	vshra.s32 v63, $0x1  }
0x21a: {  	v63 =	vmul.f32 $5.000000000e-01, v37;
	v52 =	vshra.s32 v32, $0x1;
	v32 =	vmul.f32 $5.000000000e-01, v32  }
0x21b: {  	v54 =	vmul.f32 v40, v40;
	v48 =	vsub.s32 $0x5F3759DF, v53;
	v45 =	vsub.s32 $0x5F3759DF, v52  }
0x21c: {  	v13 =	vpop (erf);
	v40 =	vmul.f32 v40, v12;
	v32 =	vmul.f32 v45, v32;
	v27 =	vsub.f32 v41, v27  }
0x21d: {  	v14 =	vpop (erf);
	v46 =	vsub.f32 v46, v54;
	v54 =	vmul.f32 v48, v38;
	v38 =	vbroadcast v20, $0x0  }
0x21e: {  	v15 =	vpop (erf);
	v20 =	vadd.s32 v4, v23;
	v23 =	vsub.f32 v33, v43;
	v33 =	vmul.f32 v24, v56  }
0x21f: {  	s6 =	sadd.s32 $0x2, s1;
	s9 =	sadd.s32 $0x4, s1;
	v16 =	vpop (erf);
	v56 =	vsub.f32 v47, v40;
	v32 =	vmul.f32 v45, v32;
	v21 =	vmul.f32 v48, v54  }
0x220: {  	s12 =	sadd.s32 $0x7, s1;
	v40 =	vmov s6;
	v43 =	vmov s9;
	v17 =	vpop (erf);
	v33 =	vmul.f32 v24, v33  }
0x221: {  	v54 =	vmov s12;
	v32 =	vsub.f32 $1.500000000e+00, v32;
	v61 =	vpop (erf);
	v21 =	vsub.f32 $1.500000000e+00, v21  }
0x222: {  	v33 =	vsub.f32 $1.500000000e+00, v33;
	v62 =	vadd.f32 $1.000000000e+00, v61;
	v61 =	vmul.f32 v60, v34  }
0x223: {  	v32 =	vmul.f32 v45, v32;
	v58 =	vmul.f32 v48, v21;
	v21 =	vadd.s32 v6, v22  }
0x224: {  	v48 =	vadd.f32 $9.999999740e-06, v46;
	v24 =	vmul.f32 v24, v33;
	v33 =	vsub.s32 $0x5F3759DF, v51  }
0x225: {  	(erf) = vrcp.f32 v62;
	v62 =	vshra.s32 v37, $0x1;
	v22 =	vmul.f32 v60, v61  }
0x226: {  	s12 =	sadd.s32 $0x5, s1;
	v31 =	vmul.f32 v33, v31;
	v27 =	vmul.f32 v32, v27;
	v30 =	vsub.s32 $0x5F3759DF, v62  }
0x227: {  	v45 =	vmov s12;
	v37 =	vmul.f32 $5.000000000e-01, v48;
	v34 =	vmul.f32 v30, v63  }
0x228: {  	v53 =	vshra.s32 v48, $0x1;
	v23 =	vmul.f32 v58, v23;
	v24 =	vmul.f32 v24, v28  }
0x229: {  	(erf) = vrcp.f32 v36;
	v39 =	vsub.s32 $0x5F3759DF, v53;
	v34 =	vmul.f32 v30, v34  }
0x22a: {  	v22 =	vsub.f32 $1.500000000e+00, v22;
	v31 =	vmul.f32 v33, v31;
	v37 =	vmul.f32 v39, v37  }
0x22b: {  	v27 =	vadd.f32 v27, v11;
	(erf) = vrcp.f32 v57;
	v34 =	vsub.f32 $1.500000000e+00, v34  }
0x22c: {  	v22 =	vmul.f32 v60, v22;
	v31 =	vsub.f32 $1.500000000e+00, v31;
	v37 =	vmul.f32 v39, v37  }
0x22d: {  	v57 =	vbroadcast v49, $0x0;
	v23 =	vadd.f32 v23, v11;
	v30 =	vmul.f32 v30, v34  }
0x22e: {  	v31 =	vmul.f32 v33, v31;
	v22 =	vmul.f32 v22, v29;
	v37 =	vsub.f32 $1.500000000e+00, v37  }
0x22f: {  	v24 =	vadd.f32 v24, v11;
	v23 =	vsub.f32 $0.0e+00, v23;
	v25 =	vmul.f32 v30, v25  }
0x230: {  	v26 =	vmul.f32 v31, v26;
	v22 =	vadd.f32 v22, v11;
	v55 =	vmul.f32 v39, v37  }
0x231: {  	v24 =	vsub.f32 $0.0e+00, v24;
	v23 =	vmul.f32 $1.442695020e+00, v23;
	v25 =	vadd.f32 v25, v11  }
0x232: {  	v26 =	vadd.f32 v26, v11;
	v22 =	vsub.f32 $0.0e+00, v22;
	v28 =	vmul.f32 v55, v56  }
0x233: {  	v24 =	vmul.f32 $1.442695020e+00, v24;
	(erf) = vpow2.f32 v23;
	v25 =	vsub.f32 $0.0e+00, v25  }
0x234: {  	v26 =	vsub.f32 $0.0e+00, v26;
	v22 =	vmul.f32 $1.442695020e+00, v22;
	v28 =	vadd.f32 v28, v11  }
0x235: {  	v58 =	vsub.f32 $0.0e+00, v27;
	(erf) = vpow2.f32 v24;
	v25 =	vmul.f32 $1.442695020e+00, v25  }
0x236: {  	v26 =	vmul.f32 $1.442695020e+00, v26;
	(erf) = vpow2.f32 v22;
	v59 =	vsub.f32 $0.0e+00, v28  }
0x237: {  	v46 =	vadd.s32 v7, v50;
	v23 =	vmul.f32 $1.442695020e+00, v58;
	(erf) = vpow2.f32 v25  }
0x238: {  	v61 =	vadd.s32 v8, v38;
	v24 =	vmul.f32 $1.442695020e+00, v59;
	(erf) = vpow2.f32 v26  }
0x239: {  	v60 =	vmov s1;
	v62 =	vadd.s32 v9, v57;
	(erf) = vpow2.f32 v23  }
0x23a: {  	v29 =	vshrl.u32 v40, $0x3;
	v33 =	vshrl.u32 v45, $0x3;
	v63 =	vpop (erf);
	(erf) = vpow2.f32 v24  }
0x23b: {  	s14 =	sadd.s32 $0x1, s1;
	v29 =	vshll.u32 v29, v3;
	v34 =	vshrl.u32 v54, $0x3;
	v31 =	vshrl.u32 v43, $0x3;
	v41 =	vpop (erf)  }
0x23c: {  	[tilespmem:v20+s24+$0x0] =	vst.idx.msk $0xffff, v14;
	v34 =	vshll.u32 v34, v3;
	v39 =	vmov s14;
	s14 =	sadd.s32 $0x6, s1;
	v14 =	vshll.u32 v31, v3;
	v44 =	vpop (erf)  }
0x23d: {  	v58 =	vbroadcast v29, $0x0;
	v34 =	vbroadcast v34, $0x0;
	v47 =	vmov s14;
	v48 =	vpop (erf)  }
0x23e: {  	v30 =	vshrl.u32 v42, $0x3;
	v14 =	vbroadcast v14, $0x0;
	v35 =	vadd.f32 $1.000000000e+00, v48;
	v49 =	vpop (erf)  }
0x23f: {  	v22 =	vadd.s32 v10, v34;
	v28 =	vshrl.u32 v39, $0x3;
	v36 =	vadd.f32 $1.000000000e+00, v49;
	v50 =	vpop (erf)  }
0x240: {  	v28 =	vshll.u32 v28, v3;
	(erf) = vrcp.f32 v35;
	v37 =	vadd.f32 $1.000000000e+00, v50;
	v51 =	vpop (erf)  }
0x241: {  	v25 =	vshrl.u32 v60, $0x3;
	(erf) = vrcp.f32 v36;
	v35 =	vadd.f32 $1.000000000e+00, v51;
	v52 =	vpop (erf)  }
0x242: {  	v25 =	vshll.u32 v25, v3;
	(erf) = vrcp.f32 v37;
	v53 =	vadd.f32 $1.000000000e+00, v52;
	v54 =	vpop (erf)  }
0x243: {  	[tilespmem:v19+s24+$0x0] =	vst.idx.msk $0xffff, v13;
	v25 =	vbroadcast v25, $0x0;
	v55 =	vadd.f32 $1.000000000e+00, v54;
	(erf) = vrcp.f32 v35;
	v56 =	vpop (erf)  }
0x244: {  	[tilespmem:v18+s24+$0x0] =	vst.idx.msk $0xffff, v15;
	v15 =	vbroadcast v28, $0x0;
	v57 =	vadd.f32 $1.000000000e+00, v56;
	(erf) = vrcp.f32 v53  }
0x245: {  	[tilespmem:v21+s24+$0x0] =	vst.idx.msk $0xffff, v16;
	v13 =	vshll.u32 v30, v3;
	v59 =	vadd.s32 v0, v25;
	(erf) = vrcp.f32 v55  }
0x246: {  	[tilespmem:v46+s24+$0x0] =	vst.idx.msk $0xffff, v17;
	v13 =	vbroadcast v13, $0x0;
	v15 =	vadd.s32 v4, v15;
	(erf) = vrcp.f32 v57  }
0x247: {  	v16 =	vadd.s32 v5, v58;
	[tilespmem:v61+s24+$0x0] =	vst.idx.msk $0xffff, v41;
	v34 =	vshrl.u32 v47, $0x3;
	v60 =	vshll.u32 v33, v3  }
0x248: {  	[tilespmem:v62+s24+$0x0] =	vst.idx.msk $0xffff, v44;
	v13 =	vadd.s32 v6, v13;
	v61 =	vshll.u32 v34, v3;
	v17 =	vbroadcast v60, $0x0  }
0x249: {  	v14 =	vadd.s32 v7, v14;
	v18 =	vbroadcast v61, $0x0;
	[tilespmem:v22+s24+$0x0] =	vst.idx.msk $0xffff, v63;
	v62 =	vpop (erf)  }
0x24a: {  	v17 =	vadd.s32 v8, v17;
	[tilespmem:v59+s24+$0x0] =	vst.idx.msk $0xffff, v62;
	v63 =	vpop (erf)  }
0x24b: {  	s29 =	sadd.s32 $0x1, s29;
	v18 =	vadd.s32 v9, v18;
	[tilespmem:v15+s24+$0x0] =	vst.idx.msk $0xffff, v63;
	v15 =	vpop (erf)  }
0x24c: {  	p0 =	sne.s32 s29, $0x3E;
	[tilespmem:v16+s24+$0x0] =	vst.idx.msk $0xffff, v15;
	v15 =	vpop (erf)  }
.Ltmp2:
0x24d: {  	[tilespmem:v13+s24+$0x0] =	vst.idx.msk $0xffff, v15;
	v13 =	vpop (erf);
	(pc) =	sbr.rel @p0 .LBB2_2-.Ltmp2, $4  }
0x24e: {  	s31 =	sadd.s32 s3, s30;
	[tilespmem:v14+s24+$0x0] =	vst.idx.msk $0xffff, v13;
	v13 =	vpop (erf)  }
0x24f: {  	s0 =	sshrl.u32 s31, $0x3;
	[tilespmem:v17+s24+$0x0] =	vst.idx.msk $0xffff, v13;
	v13 =	vpop (erf)  }
0x250: {  	s0 =	sadd.s32 s7, s0;
	[tilespmem:v18+s24+$0x0] =	vst.idx.msk $0xffff, v13  }
0x251: {  	[hbm4b:s0+s15] =	stream.strided.scatter [tilespmem:s24], [sflag:$0x4], $0x500, s22, s15, $0x38;
	[tilespmem:$0x8040] =	vst v63  }
0x252: {  	_ =	swait.ge [sflag:s20], $0xA00  }
0x253: {  	[sflag:s20] =	ssyncset.done $0x0  }
0x254: {  	[sflag:s20] =	ssyncadd.s32 $0xFFFFF600  }
0x255: {  	_ =	swait.ge [sflag:s20], $0xA00  }
0x256: {  	[sflag:s20] =	ssyncset.done $0x0  }
0x257: {  	[sflag:s20] =	ssyncadd.s32 $0xFFFFF600  }
0x258: {  	_ =	swait.ge [sflag:s25], $0x500  }
0x259: {  	[sflag:s25] =	ssyncset.done $0x0  }
0x25a: {  	s1 =	simm.s32 $0x4EA0;
	[sflag:s25] =	ssyncadd.s32 $0xFFFFFB00  }
0x25b: {  	s0 =	simm.s32 $0x58A0;
	v13 =	vld [tilespmem:s1+$0x70]  }
0x25c: {  	v14 =	vld [tilespmem:s0+$0x70]  }
0x25d: {  	v15 =	vld [tilespmem:s1+$0xFFFFFFB0]  }
0x25e: {  	v17 =	vld [tilespmem:s0+$0xFFFFFFB0]  }
0x25f: {  	v18 =	vld [tilespmem:s1+$0xFFFFFFD0]  }
0x260: {  	v19 =	vld [tilespmem:s0+$0xFFFFFFD0]  }
0x261: {  	v27 =	vld [tilespmem:s1+$0x50]  }
0x262: {  	v29 =	vld [tilespmem:s0+$0x50]  }
0x263: {  	v20 =	vld [tilespmem:s0+$0xFFFFFFF0]  }
0x264: {  	v22 =	vld [tilespmem:s0+$0x10]  }
0x265: {  	v24 =	vld [tilespmem:s0+$0x30];
	v13 =	vadd.f32 v14, v13  }
0x266: {  	v30 =	vld [tilespmem:s1+$0x60];
	v15 =	vadd.f32 v17, v15  }
0x267: {  	v45 =	vld [tilespmem:s0+$0x60];
	v27 =	vadd.f32 v29, v27;
	v21 =	vperm.xlane v13, v1;
	v13 =	vperm.xlane v13, v2  }
0x268: {  	v36 =	vld [tilespmem:s1+$0xFFFFFFC0];
	v23 =	vperm.xlane v15, v1;
	v15 =	vperm.xlane v15, v2  }
0x269: {  	v14 =	vld [tilespmem:s1+$0xFFFFFFF0];
	v18 =	vadd.f32 v19, v18;
	v33 =	vperm.xlane v27, v1;
	v27 =	vperm.xlane v27, v2  }
0x26a: {  	v17 =	vld [tilespmem:s1+$0x10];
	v21 =	vmul.f32 $3.906250000e-03, v21;
	v25 =	vmul.f32 $3.906250000e-03, v13  }
0x26b: {  	s6 =	simm.s32 $0x7;
	v19 =	vld [tilespmem:s1+$0x30];
	v13 =	vmul.f32 $3.906250000e-03, v23;
	v23 =	vperm.xlane v18, v1  }
0x26c: {  	v62 =	vmov s6;
	v47 =	vld [tilespmem:s0+$0xFFFFFFC0];
	v28 =	vmul.f32 $3.906250000e-03, v15;
	v18 =	vperm.xlane v18, v2  }
0x26d: {  	v29 =	vadd.f32 v45, v30;
	v33 =	vmul.f32 $3.906250000e-03, v33;
	v27 =	vmul.f32 $3.906250000e-03, v27  }
0x26e: {  	v53 =	vld [tilespmem:s1+$0x0];
	v20 =	vadd.f32 v20, v14;
	v26 =	vmul.f32 v21, v21;
	v14 =	vmul.f32 $3.906250000e-03, v23  }
0x26f: {  	v56 =	vld [tilespmem:s0+$0x0];
	v17 =	vadd.f32 v22, v17;
	v22 =	vmul.f32 v13, v13;
	v21 =	vmul.f32 v21, v12  }
0x270: {  	v19 =	vadd.f32 v24, v19;
	v40 =	vmul.f32 v33, v33;
	v18 =	vmul.f32 $3.906250000e-03, v18  }
0x271: {  	v30 =	vadd.f32 v47, v36;
	v13 =	vmul.f32 v13, v12;
	v23 =	vperm.xlane v20, v1  }
0x272: {  	v20 =	vperm.xlane v20, v2;
	v31 =	vperm.xlane v19, v1;
	v15 =	vsub.f32 v25, v26  }
0x273: {  	v19 =	vperm.xlane v19, v2;
	v22 =	vsub.f32 v28, v22;
	v21 =	vsub.f32 v29, v21  }
0x274: {  	v49 =	vmul.f32 v14, v14;
	v27 =	vsub.f32 v27, v40;
	v29 =	vadd.f32 v56, v53  }
0x275: {  	v40 =	vshrl.u32 v62, $0x3;
	v14 =	vmul.f32 v14, v12;
	v31 =	vmul.f32 $3.906250000e-03, v31  }
0x276: {  	v20 =	vmul.f32 $3.906250000e-03, v20;
	v19 =	vmul.f32 $3.906250000e-03, v19;
	v40 =	vshll.u32 v40, v3  }
0x277: {  	v26 =	vadd.f32 $9.999999740e-06, v15;
	v15 =	vmul.f32 $3.906250000e-03, v23;
	v23 =	vperm.xlane v17, v1  }
0x278: {  	v16 =	vld [tilespmem:s0+$0xFFFFFF90];
	v17 =	vperm.xlane v17, v2;
	v22 =	vadd.f32 $9.999999740e-06, v22;
	v18 =	vsub.f32 v18, v49  }
0x279: {  	v25 =	vld [tilespmem:s1+$0xFFFFFF90];
	v27 =	vadd.f32 $9.999999740e-06, v27;
	v40 =	vbroadcast v40, $0x0;
	v51 =	vmul.f32 v31, v31  }
0x27a: {  	v58 =	vld [tilespmem:s1+$0x20];
	v31 =	vmul.f32 v31, v12;
	v24 =	vshra.s32 v26, $0x1;
	v26 =	vmul.f32 $5.000000000e-01, v26  }
0x27b: {  	v60 =	vld [tilespmem:s0+$0x20];
	v14 =	vsub.f32 v30, v14;
	v23 =	vmul.f32 $3.906250000e-03, v23;
	v39 =	vmul.f32 v15, v15  }
0x27c: {  	v38 =	vshra.s32 v22, $0x1;
	v17 =	vmul.f32 $3.906250000e-03, v17;
	v22 =	vmul.f32 $5.000000000e-01, v22  }
0x27d: {  	v18 =	vadd.f32 $9.999999740e-06, v18;
	v41 =	vshra.s32 v27, $0x1;
	v27 =	vmul.f32 $5.000000000e-01, v27  }
0x27e: {  	v15 =	vmul.f32 v15, v12;
	v24 =	vsub.s32 $0x5F3759DF, v24;
	v16 =	vadd.f32 v16, v25  }
0x27f: {  	v19 =	vsub.f32 v19, v51;
	v52 =	vsub.s32 $0x5F3759DF, v38;
	v41 =	vsub.s32 $0x5F3759DF, v41  }
0x280: {  	v38 =	vadd.f32 v60, v58;
	v25 =	vmul.f32 v24, v26;
	v50 =	vmul.f32 v23, v23  }
0x281: {  	v54 =	vshra.s32 v18, $0x1;
	v18 =	vmul.f32 $5.000000000e-01, v18;
	v27 =	vmul.f32 v41, v27  }
0x282: {  	v20 =	vsub.f32 v20, v39;
	v23 =	vmul.f32 v23, v12;
	v35 =	vperm.xlane v16, v1  }
0x283: {  	v16 =	vperm.xlane v16, v2;
	v19 =	vadd.f32 $9.999999740e-06, v19;
	v25 =	vmul.f32 v24, v25  }
0x284: {  	v32 =	vld [tilespmem:s1+$0xFFFFFF80];
	v17 =	vsub.f32 v17, v50;
	v20 =	vadd.f32 $9.999999740e-06, v20;
	v27 =	vmul.f32 v41, v27  }
0x285: {  	v26 =	vld [tilespmem:s0+$0xFFFFFF80];
	v23 =	vsub.f32 v29, v23;
	v35 =	vmul.f32 $3.906250000e-03, v35;
	v16 =	vmul.f32 $3.906250000e-03, v16  }
0x286: {  	v34 =	vld [tilespmem:s1+$0xFFFFFFA0];
	v59 =	vshra.s32 v19, $0x1;
	v19 =	vmul.f32 $5.000000000e-01, v19;
	v25 =	vsub.f32 $1.500000000e+00, v25  }
0x287: {  	v46 =	vld [tilespmem:s0+$0xFFFFFFA0];
	v17 =	vadd.f32 $9.999999740e-06, v17;
	v55 =	vshra.s32 v20, $0x1;
	v20 =	vmul.f32 $5.000000000e-01, v20  }
0x288: {  	v39 =	vsub.s32 $0x5F3759DF, v59;
	v48 =	vmul.f32 v35, v35;
	v24 =	vmul.f32 v24, v25  }
0x289: {  	v37 =	vld [tilespmem:s1+$0xFFFFFFE0];
	v27 =	vsub.f32 $1.500000000e+00, v27;
	v19 =	vmul.f32 v39, v19;
	v35 =	vmul.f32 v35, v12  }
0x28a: {  	v25 =	vadd.f32 v26, v32;
	v26 =	vld [tilespmem:s0+$0xFFFFFFE0];
	v32 =	vsub.s32 $0x5F3759DF, v54;
	v21 =	vmul.f32 v24, v21  }
0x28b: {  	v57 =	vshra.s32 v17, $0x1;
	v17 =	vmul.f32 $5.000000000e-01, v17;
	v18 =	vmul.f32 v32, v18  }
0x28c: {  	v24 =	vadd.f32 v46, v34;
	v34 =	vsub.s32 $0x5F3759DF, v55;
	v21 =	vadd.f32 v21, v11  }
0x28d: {  	v16 =	vsub.f32 v16, v48;
	v19 =	vmul.f32 v39, v19;
	v20 =	vmul.f32 v34, v20  }
0x28e: {  	v25 =	vsub.f32 v25, v35;
	v18 =	vmul.f32 v32, v18;
	v21 =	vsub.f32 $0.0e+00, v21  }
0x28f: {  	v16 =	vadd.f32 $9.999999740e-06, v16;
	v26 =	vadd.f32 v26, v37;
	v20 =	vmul.f32 v34, v20  }
0x290: {  	v37 =	vsub.s32 $0x5F3759DF, v57;
	v18 =	vsub.f32 $1.500000000e+00, v18;
	v21 =	vmul.f32 $1.442695020e+00, v21  }
0x291: {  	v19 =	vsub.f32 $1.500000000e+00, v19;
	v17 =	vmul.f32 v37, v17;
	v20 =	vsub.f32 $1.500000000e+00, v20  }
0x292: {  	v18 =	vmul.f32 v32, v18;
	v15 =	vsub.f32 v26, v15;
	(erf) = vpow2.f32 v21  }
0x293: {  	v21 =	vmul.f32 v52, v22;
	v22 =	vshra.s32 v16, $0x1;
	v16 =	vmul.f32 $5.000000000e-01, v16  }
0x294: {  	v17 =	vmul.f32 v37, v17;
	v20 =	vmul.f32 v34, v20;
	v22 =	vsub.s32 $0x5F3759DF, v22  }
0x295: {  	v13 =	vsub.f32 v24, v13;
	v14 =	vmul.f32 v18, v14;
	v16 =	vmul.f32 v22, v16  }
0x296: {  	v24 =	vmul.f32 v41, v27;
	v17 =	vsub.f32 $1.500000000e+00, v17;
	v15 =	vmul.f32 v20, v15  }
0x297: {  	v19 =	vmul.f32 v39, v19;
	v14 =	vadd.f32 v14, v11;
	v16 =	vmul.f32 v22, v16  }
0x298: {  	v21 =	vmul.f32 v52, v21;
	v17 =	vmul.f32 v37, v17;
	v15 =	vadd.f32 v15, v11  }
0x299: {  	v63 =	vld [tilespmem:s1+$0x40];
	v20 =	vadd.s32 v10, v40;
	v14 =	vsub.f32 $0.0e+00, v14;
	v16 =	vsub.f32 $1.500000000e+00, v16  }
0x29a: {  	s9 =	simm.s32 $0x3;
	v42 =	vld [tilespmem:s0+$0x40];
	v21 =	vsub.f32 $1.500000000e+00, v21;
	v17 =	vmul.f32 v17, v23;
	v15 =	vsub.f32 $0.0e+00, v15  }
0x29b: {  	v23 =	vmov s9;
	v14 =	vmul.f32 $1.442695020e+00, v14;
	v16 =	vmul.f32 v22, v16  }
0x29c: {  	v21 =	vmul.f32 v52, v21;
	v17 =	vadd.f32 v17, v11;
	v15 =	vmul.f32 $1.442695020e+00, v15;
	v61 =	vpop (erf)  }
0x29d: {  	s31 =	simm.s32 $0x0;
	v22 =	vmul.f32 v33, v12;
	v36 =	vadd.f32 $1.000000000e+00, v61;
	v16 =	vmul.f32 v16, v25  }
0x29e: {  	v13 =	vmul.f32 v21, v13;
	v21 =	vmov s31;
	v25 =	vsub.f32 v38, v31  }
0x29f: {  	(erf) = vrcp.f32 v36;
	v36 =	vadd.f32 v42, v63;
	v16 =	vadd.f32 v16, v11  }
0x2a0: {  	v17 =	vsub.f32 $0.0e+00, v17;
	v13 =	vadd.f32 v13, v11;
	v19 =	vmul.f32 v19, v25  }
0x2a1: {  	v21 =	vshrl.u32 v21, $0x3;
	v18 =	vsub.f32 v36, v22;
	v16 =	vsub.f32 $0.0e+00, v16  }
0x2a2: {  	s1 =	simm.s32 $0x1;
	v17 =	vmul.f32 $1.442695020e+00, v17;
	v13 =	vsub.f32 $0.0e+00, v13;
	v19 =	vadd.f32 v19, v11  }
0x2a3: {  	v22 =	vmov s1;
	v18 =	vmul.f32 v24, v18;
	v16 =	vmul.f32 $1.442695020e+00, v16  }
0x2a4: {  	s14 =	simm.s32 $0x5;
	v13 =	vmul.f32 $1.442695020e+00, v13;
	v22 =	vshrl.u32 v22, $0x3;
	v19 =	vsub.f32 $0.0e+00, v19  }
0x2a5: {  	v24 =	vmov s14;
	v18 =	vadd.f32 v18, v11;
	(erf) = vpow2.f32 v16  }
0x2a6: {  	s6 =	simm.s32 $0x2;
	v25 =	vshrl.u32 v24, $0x3;
	v19 =	vmul.f32 $1.442695020e+00, v19;
	(erf) = vpow2.f32 v13  }
0x2a7: {  	s12 =	simm.s32 $0x4;
	v16 =	vmov s6;
	v18 =	vsub.f32 $0.0e+00, v18;
	(erf) = vpow2.f32 v14  }
0x2a8: {  	v13 =	vmov s12;
	v16 =	vshrl.u32 v16, $0x3;
	(erf) = vpow2.f32 v15  }
0x2a9: {  	s31 =	simm.s32 $0x6;
	v14 =	vshll.u32 v21, v3;
	v18 =	vmul.f32 $1.442695020e+00, v18;
	(erf) = vpow2.f32 v17  }
0x2aa: {  	v21 =	vmov s31;
	v13 =	vshrl.u32 v13, $0x3;
	(erf) = vpow2.f32 v19  }
0x2ab: {  	s29 =	simm.s32 $0x4FA0;
	v15 =	vpop (erf);
	v24 =	vshll.u32 v13, v3;
	v17 =	vshrl.u32 v23, $0x3;
	(erf) = vpow2.f32 v18  }
0x2ac: {  	s30 =	simm.s32 $0x59A0;
	[tilespmem:v20+s21+$0x0] =	vst.idx.msk $0xffff, v15;
	v15 =	vld [tilespmem:s29+$0x70];
	v20 =	vshll.u32 v25, v3;
	v19 =	vshrl.u32 v21, $0x3;
	v21 =	vshll.u32 v22, v3  }
0x2ad: {  	s0 =	simm.s32 $0x10;
	s1 =	simm.s32 $0x8;
	v22 =	vshll.u32 v16, v3;
	v16 =	vld [tilespmem:s30+$0x70];
	v23 =	vshll.u32 v17, v3;
	v18 =	vbroadcast v14, $0x0  }
.LBB2_8:
0x2ae: {  	p0 =	slt.u32 s0, $0x48;
	v25 =	vld [tilespmem:s30+$0xFFFFFF90];
	v17 =	vbroadcast v21, $0x0;
	v21 =	vbroadcast v22, $0x0;
	v13 =	vshll.u32 v19, v3;
	v14 =	vpop (erf)  }
0x2af: {  	v23 =	vbroadcast v23, $0x0;
	v24 =	vbroadcast v24, $0x0;
	v19 =	vld [tilespmem:s29+$0xFFFFFFB0];
	v22 =	vadd.f32 $1.000000000e+00, v14;
	v14 =	vpop (erf)  }
0x2b0: {  	v27 =	vadd.s32 v0, v18;
	v26 =	vld [tilespmem:s30+$0xFFFFFFB0];
	v18 =	vadd.f32 $1.000000000e+00, v14;
	v14 =	vbroadcast v20, $0x0;
	v20 =	vpop (erf)  }
0x2b1: {  	v29 =	vadd.s32 v4, v17;
	v28 =	vld [tilespmem:s29+$0xFFFFFFD0];
	v17 =	vadd.f32 $1.000000000e+00, v20;
	(erf) = vrcp.f32 v22;
	v20 =	vpop (erf)  }
0x2b2: {  	v22 =	vld [tilespmem:s30+$0xFFFFFFD0];
	v30 =	vadd.f32 v16, v15;
	v32 =	vadd.f32 $1.000000000e+00, v20;
	(erf) = vrcp.f32 v18;
	v15 =	vpop (erf)  }
0x2b3: {  	v20 =	vadd.s32 v5, v21;
	v18 =	vld [tilespmem:s29+$0xFFFFFFF0];
	v21 =	vadd.f32 $1.000000000e+00, v15;
	(erf) = vrcp.f32 v17;
	v15 =	vpop (erf)  }
0x2b4: {  	v31 =	vld [tilespmem:s30+$0xFFFFFFF0];
	v17 =	vperm.xlane v30, v1;
	v15 =	vadd.f32 $1.000000000e+00, v15;
	(erf) = vrcp.f32 v32;
	v16 =	vpop (erf)  }
0x2b5: {  	v19 =	vadd.f32 v26, v19;
	v26 =	vld [tilespmem:s29+$0x10];
	v16 =	vadd.f32 $1.000000000e+00, v16;
	(erf) = vrcp.f32 v21  }
0x2b6: {  	v23 =	vadd.s32 v6, v23;
	v30 =	vperm.xlane v30, v2;
	v21 =	vld [tilespmem:s30+$0x10];
	v32 =	vmul.f32 $3.906250000e-03, v17  }
0x2b7: {  	v17 =	vperm.xlane v19, v1;
	v19 =	vperm.xlane v19, v2;
	v22 =	vadd.f32 v22, v28;
	v28 =	vld [tilespmem:s29+$0x30]  }
0x2b8: {  	v24 =	vadd.s32 v7, v24;
	v39 =	vmul.f32 $3.906250000e-03, v30;
	v33 =	vld [tilespmem:s30+$0x30];
	v34 =	vmul.f32 v32, v32  }
0x2b9: {  	v17 =	vmul.f32 $3.906250000e-03, v17;
	v35 =	vperm.xlane v22, v1;
	v31 =	vadd.f32 v31, v18;
	v36 =	vld [tilespmem:s29+$0x50]  }
0x2ba: {  	v37 =	vmul.f32 $3.906250000e-03, v19;
	v38 =	vperm.xlane v22, v2;
	v22 =	vld [tilespmem:s30+$0x50];
	v19 =	vsub.f32 v39, v34;
	v30 =	vpop (erf)  }
0x2bb: {  	v34 =	vld [tilespmem:s29+$0xFFFFFF90];
	v18 =	vmul.f32 $3.906250000e-03, v35;
	v35 =	vperm.xlane v31, v1;
	v21 =	vadd.f32 v21, v26;
	[tilespmem:v27+s21+$0x0] =	vst.idx.msk $0xffff, v30;
	v26 =	vpop (erf)  }
0x2bc: {  	v30 =	vmul.f32 v17, v17;
	v31 =	vperm.xlane v31, v2;
	v27 =	vld [tilespmem:s29+$0xFFFFFF80];
	v39 =	vadd.f32 $9.999999740e-06, v19;
	[tilespmem:v29+s21+$0x0] =	vst.idx.msk $0xffff, v26;
	v26 =	vpop (erf)  }
0x2bd: {  	v29 =	vld [tilespmem:s30+$0xFFFFFF80];
	v19 =	vmul.f32 $3.906250000e-03, v35;
	v35 =	vperm.xlane v21, v1;
	v28 =	vadd.f32 v33, v28;
	[tilespmem:v20+s21+$0x0] =	vst.idx.msk $0xffff, v26;
	v20 =	vpop (erf)  }
0x2be: {  	v26 =	vperm.xlane v21, v2;
	v21 =	vshra.s32 v39, $0x1;
	v33 =	vmul.f32 $5.000000000e-01, v39;
	v39 =	vld [tilespmem:s29+$0x60];
	[tilespmem:v23+s21+$0x0] =	vst.idx.msk $0xffff, v20;
	v20 =	vpop (erf)  }
0x2bf: {  	v23 =	vperm.xlane v28, v1;
	v36 =	vadd.f32 v22, v36;
	v40 =	vsub.s32 $0x5F3759DF, v21;
	v41 =	vld [tilespmem:s30+$0x60];
	[tilespmem:v24+s21+$0x0] =	vst.idx.msk $0xffff, v20  }
0x2c0: {  	v20 =	vmul.f32 $3.906250000e-03, v35;
	v24 =	vadd.f32 v25, v34;
	v25 =	vld [tilespmem:s29+$0xFFFFFFA0];
	v33 =	vmul.f32 v40, v33  }
0x2c1: {  	v30 =	vsub.f32 v37, v30;
	v34 =	vld [tilespmem:s30+$0xFFFFFFA0];
	v21 =	vmul.f32 $3.906250000e-03, v23;
	v23 =	vperm.xlane v36, v1  }
0x2c2: {  	v35 =	vperm.xlane v24, v1;
	v22 =	vadd.f32 v29, v27;
	v27 =	vld [tilespmem:s29+$0xFFFFFFC0];
	v29 =	vmul.f32 v40, v33  }
0x2c3: {  	v30 =	vadd.f32 $9.999999740e-06, v30;
	v33 =	vperm.xlane v24, v2;
	v37 =	vld [tilespmem:s30+$0xFFFFFFC0];
	v23 =	vmul.f32 $3.906250000e-03, v23  }
0x2c4: {  	v32 =	vmul.f32 v32, v12;
	v42 =	vld [tilespmem:s29+$0xFFFFFFE0];
	v24 =	vsub.f32 $1.500000000e+00, v29;
	v29 =	vadd.f32 v41, v39  }
0x2c5: {  	v28 =	vperm.xlane v28, v2;
	v35 =	vmul.f32 $3.906250000e-03, v35;
	v39 =	vshra.s32 v30, $0x1;
	v41 =	vld [tilespmem:s30+$0xFFFFFFE0]  }
0x2c6: {  	v36 =	vperm.xlane v36, v2;
	v43 =	vld [tilespmem:s29+$0x0];
	v40 =	vmul.f32 v40, v24;
	v29 =	vsub.f32 v29, v32  }
0x2c7: {  	v32 =	vmul.f32 v35, v35;
	v24 =	vsub.s32 $0x5F3759DF, v39;
	v39 =	vmul.f32 v18, v18;
	v44 =	vld [tilespmem:s30+$0x0]  }
0x2c8: {  	v25 =	vadd.f32 v34, v25;
	v34 =	vmul.f32 v19, v19;
	v45 =	vld [tilespmem:s29+$0x20];
	v29 =	vmul.f32 v40, v29  }
0x2c9: {  	v27 =	vadd.f32 v37, v27;
	v37 =	vmul.f32 v20, v20;
	v40 =	vmul.f32 v21, v21;
	v46 =	vld [tilespmem:s30+$0x20]  }
0x2ca: {  	v33 =	vmul.f32 $3.906250000e-03, v33;
	v47 =	vmul.f32 v23, v23;
	v48 =	vld [tilespmem:s29+$0x40];
	v29 =	vadd.f32 v29, v11  }
0x2cb: {  	v38 =	vmul.f32 $3.906250000e-03, v38;
	v31 =	vmul.f32 $3.906250000e-03, v31;
	v41 =	vadd.f32 v41, v42;
	v42 =	vld [tilespmem:s30+$0x40]  }
0x2cc: {  	v26 =	vmul.f32 $3.906250000e-03, v26;
	v28 =	vmul.f32 $3.906250000e-03, v28;
	v29 =	vsub.f32 $0.0e+00, v29  }
0x2cd: {  	v36 =	vmul.f32 $3.906250000e-03, v36;
	v32 =	vsub.f32 v33, v32;
	v33 =	vsub.f32 v38, v39  }
0x2ce: {  	v31 =	vsub.f32 v31, v34;
	v26 =	vsub.f32 v26, v37;
	v29 =	vmul.f32 $1.442695020e+00, v29  }
0x2cf: {  	v30 =	vmul.f32 $5.000000000e-01, v30;
	v34 =	vsub.f32 v36, v47;
	v28 =	vsub.f32 v28, v40  }
0x2d0: {  	v32 =	vadd.f32 $9.999999740e-06, v32;
	v33 =	vadd.f32 $9.999999740e-06, v33;
	(erf) = vpow2.f32 v29  }
0x2d1: {  	v26 =	vadd.f32 $9.999999740e-06, v26;
	v29 =	vmul.f32 v24, v30;
	v30 =	vadd.f32 $9.999999740e-06, v31  }
0x2d2: {  	v34 =	vadd.f32 $9.999999740e-06, v34;
	v28 =	vadd.f32 $9.999999740e-06, v28;
	v31 =	vshra.s32 v32, $0x1  }
0x2d3: {  	v36 =	vshra.s32 v33, $0x1;
	v33 =	vmul.f32 $5.000000000e-01, v33;
	v32 =	vmul.f32 $5.000000000e-01, v32  }
0x2d4: {  	v38 =	vshra.s32 v26, $0x1;
	v37 =	vshra.s32 v30, $0x1;
	v30 =	vmul.f32 $5.000000000e-01, v30  }
0x2d5: {  	v26 =	vmul.f32 $5.000000000e-01, v26;
	v39 =	vshra.s32 v28, $0x1;
	v28 =	vmul.f32 $5.000000000e-01, v28  }
0x2d6: {  	v40 =	vshra.s32 v34, $0x1;
	v34 =	vmul.f32 $5.000000000e-01, v34;
	v31 =	vsub.s32 $0x5F3759DF, v31  }
0x2d7: {  	v36 =	vsub.s32 $0x5F3759DF, v36;
	v38 =	vsub.s32 $0x5F3759DF, v38;
	v37 =	vsub.s32 $0x5F3759DF, v37  }
0x2d8: {  	v40 =	vsub.s32 $0x5F3759DF, v40;
	v39 =	vsub.s32 $0x5F3759DF, v39;
	v32 =	vmul.f32 v31, v32  }
0x2d9: {  	v43 =	vadd.f32 v44, v43;
	v33 =	vmul.f32 v36, v33;
	v30 =	vmul.f32 v37, v30;
	v44 =	vpop (erf)  }
0x2da: {  	v26 =	vmul.f32 v38, v26;
	v28 =	vmul.f32 v39, v28;
	v44 =	vadd.f32 $1.000000000e+00, v44  }
0x2db: {  	s6 =	sadd.s32 $0x7, s1;
	v45 =	vadd.f32 v46, v45;
	v34 =	vmul.f32 v40, v34;
	v32 =	vmul.f32 v31, v32  }
0x2dc: {  	v46 =	vmov s6;
	v29 =	vmul.f32 v24, v29;
	(erf) = vrcp.f32 v44  }
0x2dd: {  	v33 =	vmul.f32 v36, v33;
	v30 =	vmul.f32 v37, v30;
	v44 =	vshrl.u32 v46, $0x3  }
0x2de: {  	v26 =	vmul.f32 v38, v26;
	v28 =	vmul.f32 v39, v28;
	v44 =	vshll.u32 v44, v3  }
0x2df: {  	v34 =	vmul.f32 v40, v34;
	v32 =	vsub.f32 $1.500000000e+00, v32;
	v44 =	vbroadcast v44, $0x0  }
0x2e0: {  	v35 =	vmul.f32 v35, v12;
	v33 =	vsub.f32 $1.500000000e+00, v33;
	v29 =	vsub.f32 $1.500000000e+00, v29  }
0x2e1: {  	v26 =	vsub.f32 $1.500000000e+00, v26;
	v30 =	vsub.f32 $1.500000000e+00, v30;
	v44 =	vadd.s32 v10, v44  }
0x2e2: {  	v17 =	vmul.f32 v17, v12;
	v34 =	vsub.f32 $1.500000000e+00, v34;
	v28 =	vsub.f32 $1.500000000e+00, v28  }
0x2e3: {  	v18 =	vmul.f32 v18, v12;
	v19 =	vmul.f32 v19, v12;
	v42 =	vadd.f32 v42, v48  }
0x2e4: {  	v22 =	vsub.f32 v22, v35;
	v20 =	vmul.f32 v20, v12;
	v21 =	vmul.f32 v21, v12  }
0x2e5: {  	v23 =	vmul.f32 v23, v12;
	v17 =	vsub.f32 v25, v17;
	v31 =	vmul.f32 v31, v32;
	v25 =	vpop (erf)  }
0x2e6: {  	v24 =	vmul.f32 v24, v29;
	v29 =	vmul.f32 v36, v33;
	v32 =	vmov s1;
	[tilespmem:v44+s21+$0x0] =	vst.idx.msk $0xffff, v25  }
0x2e7: {  	v18 =	vsub.f32 v27, v18;
	v26 =	vmul.f32 v38, v26;
	v25 =	vmul.f32 v37, v30  }
0x2e8: {  	v19 =	vsub.f32 v41, v19;
	v27 =	vmul.f32 v39, v28;
	v28 =	vmul.f32 v40, v34  }
0x2e9: {  	v20 =	vsub.f32 v43, v20;
	v21 =	vsub.f32 v45, v21;
	v22 =	vmul.f32 v31, v22  }
0x2ea: {  	v23 =	vsub.f32 v42, v23;
	v17 =	vmul.f32 v24, v17;
	v18 =	vmul.f32 v29, v18  }
0x2eb: {  	v20 =	vmul.f32 v26, v20;
	v22 =	vadd.f32 v22, v11;
	v19 =	vmul.f32 v25, v19  }
0x2ec: {  	v21 =	vmul.f32 v27, v21;
	v23 =	vmul.f32 v28, v23;
	v17 =	vadd.f32 v17, v11  }
0x2ed: {  	v18 =	vadd.f32 v18, v11;
	v19 =	vadd.f32 v19, v11;
	(erf) = vrcp.f32 v15  }
0x2ee: {  	v15 =	vadd.f32 v20, v11;
	v20 =	vadd.f32 v21, v11;
	(erf) = vrcp.f32 v16  }
0x2ef: {  	v13 =	vbroadcast v13, $0x0;
	v21 =	vadd.f32 v23, v11;
	v16 =	vsub.f32 $0.0e+00, v22  }
0x2f0: {  	v14 =	vadd.s32 v8, v14;
	v17 =	vsub.f32 $0.0e+00, v17;
	v18 =	vsub.f32 $0.0e+00, v18  }
0x2f1: {  	v19 =	vsub.f32 $0.0e+00, v19;
	v15 =	vsub.f32 $0.0e+00, v15;
	v16 =	vmul.f32 $1.442695020e+00, v16  }
0x2f2: {  	v17 =	vmul.f32 $1.442695020e+00, v17;
	v20 =	vsub.f32 $0.0e+00, v20;
	v21 =	vsub.f32 $0.0e+00, v21  }
0x2f3: {  	v13 =	vadd.s32 v9, v13;
	v18 =	vmul.f32 $1.442695020e+00, v18;
	v19 =	vmul.f32 $1.442695020e+00, v19  }
0x2f4: {  	s6 =	sadd.s32 $0x1, s1;
	v22 =	vshrl.u32 v32, $0x3;
	v15 =	vmul.f32 $1.442695020e+00, v15;
	v20 =	vmul.f32 $1.442695020e+00, v20  }
0x2f5: {  	s9 =	sadd.s32 $0x3, s1;
	v23 =	vmov s6;
	s6 =	sadd.s32 $0x2, s1;
	v21 =	vmul.f32 $1.442695020e+00, v21;
	(erf) = vpow2.f32 v16  }
0x2f6: {  	v24 =	vmov s9;
	s9 =	sadd.s32 $0x5, s1;
	v16 =	vmov s6;
	s6 =	sadd.s32 $0x4, s1;
	(erf) = vpow2.f32 v17;
	v17 =	vpop (erf)  }
0x2f7: {  	v26 =	vmov s9;
	v25 =	vmov s6;
	s6 =	sadd.s32 $0x6, s1;
	s1 =	smov.u32 s0;
	(erf) = vpow2.f32 v18;
	[tilespmem:v14+s21+$0x0] =	vst.idx.msk $0xffff, v17;
	v14 =	vpop (erf)  }
0x2f8: {  	v17 =	vshll.u32 v22, v3;
	v18 =	vmov s6;
	(erf) = vpow2.f32 v19;
	[tilespmem:v13+s21+$0x0] =	vst.idx.msk $0xffff, v14  }
.Ltmp3:
0x2f9: {  	v13 =	vshrl.u32 v23, $0x3;
	v14 =	vshrl.u32 v16, $0x3;
	(erf) = vpow2.f32 v15;
	(pc) =	sbr.rel @p0 .LBB2_8-.Ltmp3, $4  }
0x2fa: {  	v23 =	vshrl.u32 v24, $0x3;
	v24 =	vshrl.u32 v25, $0x3;
	(erf) = vpow2.f32 v20  }
0x2fb: {  	s29 =	sadd.s32 $0x100, s29;
	v19 =	vshrl.u32 v18, $0x3;
	v20 =	vshrl.u32 v26, $0x3;
	(erf) = vpow2.f32 v21  }
0x2fc: {  	s30 =	sadd.s32 $0x100, s30;
	v18 =	vbroadcast v17, $0x0;
	v22 =	vshll.u32 v14, v3;
	v21 =	vshll.u32 v13, v3;
	v15 =	vld [tilespmem:s29+$0x70]  }
0x2fd: {  	s0 =	sadd.s32 $0x8, s0;
	v23 =	vshll.u32 v23, v3;
	v24 =	vshll.u32 v24, v3;
	v20 =	vshll.u32 v20, v3;
	v16 =	vld [tilespmem:s30+$0x70]  }
0x2fe: {  	v40 =	vld [tilespmem:s30+$0xFFFFFF90]  }
0x2ff: {  	v41 =	vld [tilespmem:s29+$0xFFFFFFB0]  }
0x300: {  	v17 =	vld [tilespmem:s30+$0xFFFFFFB0]  }
0x301: {  	v26 =	vld [tilespmem:s29+$0xFFFFFFD0]  }
0x302: {  	v32 =	vld [tilespmem:s30+$0xFFFFFFD0]  }
0x303: {  	v43 =	vld [tilespmem:s29+$0xFFFFFFF0]  }
0x304: {  	v44 =	vld [tilespmem:s30+$0xFFFFFFF0]  }
0x305: {  	v25 =	vpop (erf);
	v57 =	vld [tilespmem:s29+$0xFFFFFFA0]  }
0x306: {  	v58 =	vld [tilespmem:s30+$0xFFFFFFA0];
	v25 =	vadd.f32 $1.000000000e+00, v25;
	v27 =	vpop (erf)  }
0x307: {  	v45 =	vld [tilespmem:s29+$0x10];
	v27 =	vadd.f32 $1.000000000e+00, v27;
	v30 =	vpop (erf)  }
0x308: {  	v46 =	vld [tilespmem:s30+$0x10];
	v22 =	vbroadcast v22, $0x0;
	v30 =	vadd.f32 $1.000000000e+00, v30;
	(erf) = vrcp.f32 v25;
	v42 =	vpop (erf)  }
0x309: {  	v48 =	vld [tilespmem:s29+$0x30];
	v13 =	vadd.f32 v16, v15;
	v25 =	vadd.f32 $1.000000000e+00, v42;
	(erf) = vrcp.f32 v27;
	v33 =	vpop (erf)  }
0x30a: {  	v49 =	vld [tilespmem:s30+$0x30];
	(erf) = vrcp.f32 v30;
	v33 =	vadd.f32 $1.000000000e+00, v33;
	v15 =	vadd.f32 v17, v41  }
0x30b: {  	v52 =	vld [tilespmem:s29+$0xFFFFFF90];
	v30 =	vadd.f32 v58, v57;
	v58 =	vbroadcast v21, $0x0;
	v14 =	vperm.xlane v13, v1  }
0x30c: {  	v26 =	vadd.f32 v32, v26;
	v13 =	vperm.xlane v13, v2;
	(erf) = vrcp.f32 v25  }
0x30d: {  	v29 =	vld [tilespmem:s29+$0x60];
	v27 =	vadd.f32 v44, v43;
	(erf) = vrcp.f32 v33;
	v47 =	vperm.xlane v15, v1  }
0x30e: {  	v31 =	vld [tilespmem:s30+$0x60];
	v17 =	vadd.f32 v46, v45;
	v15 =	vperm.xlane v15, v2;
	v50 =	vperm.xlane v26, v1  }
0x30f: {  	v32 =	vadd.f32 v49, v48;
	v26 =	vperm.xlane v26, v2;
	v34 =	vperm.xlane v27, v1  }
0x310: {  	v54 =	vld [tilespmem:s29+$0xFFFFFF80];
	v16 =	vadd.f32 v40, v52;
	v27 =	vperm.xlane v27, v2;
	v36 =	vperm.xlane v17, v1  }
0x311: {  	v55 =	vld [tilespmem:s30+$0xFFFFFF80];
	v37 =	vperm.xlane v17, v2;
	v56 =	vperm.xlane v32, v1  }
0x312: {  	v59 =	vperm.xlane v16, v1;
	v16 =	vperm.xlane v16, v2  }
0x313: {  	v60 =	vld [tilespmem:s30+$0xFFFFFFE0];
	v29 =	vadd.f32 v31, v29;
	v32 =	vperm.xlane v32, v2;
	v14 =	vmul.f32 $3.906250000e-03, v14  }
0x314: {  	v42 =	vld [tilespmem:s29+$0xFFFFFFE0];
	v21 =	vadd.s32 v0, v18;
	v13 =	vmul.f32 $3.906250000e-03, v13;
	v15 =	vmul.f32 $3.906250000e-03, v15  }
0x315: {  	v18 =	vadd.s32 v5, v22;
	v34 =	vmul.f32 $3.906250000e-03, v34;
	v31 =	vmul.f32 $3.906250000e-03, v36  }
0x316: {  	v44 =	vpop (erf);
	v25 =	vadd.f32 v55, v54;
	v38 =	vmul.f32 $3.906250000e-03, v56;
	v39 =	vmul.f32 v14, v14  }
0x317: {  	v44 =	vadd.f32 $1.000000000e+00, v44;
	v43 =	vmul.f32 $3.906250000e-03, v59;
	v26 =	vmul.f32 $3.906250000e-03, v26  }
0x318: {  	v27 =	vmul.f32 $3.906250000e-03, v27;
	v37 =	vmul.f32 $3.906250000e-03, v37;
	v13 =	vsub.f32 v13, v39  }
0x319: {  	v42 =	vadd.f32 v60, v42;
	v32 =	vmul.f32 $3.906250000e-03, v32;
	v60 =	vbroadcast v23, $0x0  }
0x31a: {  	v45 =	vpop (erf);
	v14 =	vmul.f32 v14, v12;
	v49 =	vmul.f32 v34, v34;
	v13 =	vadd.f32 $9.999999740e-06, v13  }
0x31b: {  	v61 =	vld [tilespmem:s29+$0x0];
	v45 =	vadd.f32 $1.000000000e+00, v45;
	v62 =	vmul.f32 v31, v31;
	v63 =	vmul.f32 v38, v38  }
0x31c: {  	v41 =	vld [tilespmem:s30+$0xFFFFFFC0];
	v34 =	vmul.f32 v34, v12;
	v28 =	vshra.s32 v13, $0x1;
	v13 =	vmul.f32 $5.000000000e-01, v13  }
0x31d: {  	v14 =	vsub.f32 v29, v14;
	v29 =	vmul.f32 $3.906250000e-03, v50;
	v39 =	vld [tilespmem:s29+$0xFFFFFFC0];
	v28 =	vsub.s32 $0x5F3759DF, v28  }
0x31e: {  	v50 =	vld [tilespmem:s30+$0x0];
	v27 =	vsub.f32 v27, v49;
	v36 =	vsub.f32 v37, v62;
	v13 =	vmul.f32 v28, v13  }
0x31f: {  	v31 =	vmul.f32 v31, v12;
	v32 =	vsub.f32 v32, v63;
	v34 =	vsub.f32 v42, v34  }
0x320: {  	v57 =	vld [tilespmem:s30+$0x40];
	v48 =	vmul.f32 v29, v29;
	v27 =	vadd.f32 $9.999999740e-06, v27;
	v13 =	vmul.f32 v28, v13  }
0x321: {  	v55 =	vld [tilespmem:s29+$0x40];
	v38 =	vmul.f32 v38, v12;
	v36 =	vadd.f32 $9.999999740e-06, v36;
	v32 =	vadd.f32 $9.999999740e-06, v32  }
0x322: {  	v29 =	vmul.f32 v29, v12;
	v26 =	vsub.f32 v26, v48;
	v13 =	vsub.f32 $1.500000000e+00, v13  }
0x323: {  	v51 =	vld [tilespmem:s29+$0x50];
	v39 =	vadd.f32 v41, v39;
	v33 =	vadd.f32 v50, v61;
	v61 =	vbroadcast v24, $0x0  }
0x324: {  	v53 =	vld [tilespmem:s30+$0x50];
	v50 =	vbroadcast v20, $0x0;
	v20 =	vadd.s32 v4, v58;
	v13 =	vmul.f32 v28, v13  }
0x325: {  	v58 =	vmul.f32 $5.000000000e-01, v27;
	v27 =	vshra.s32 v27, $0x1;
	v26 =	vadd.f32 $9.999999740e-06, v26  }
0x326: {  	v24 =	vadd.f32 v57, v55;
	v27 =	vsub.s32 $0x5F3759DF, v27;
	v13 =	vmul.f32 v13, v14  }
0x327: {  	v29 =	vsub.f32 v39, v29;
	v57 =	vshra.s32 v26, $0x1;
	v26 =	vmul.f32 $5.000000000e-01, v26  }
0x328: {  	v28 =	vmul.f32 $3.906250000e-03, v47;
	v47 =	vmul.f32 v43, v43;
	v13 =	vadd.f32 v13, v11  }
0x329: {  	v43 =	vmul.f32 v43, v12;
	v14 =	vadd.f32 v53, v51;
	v51 =	vmul.f32 $3.906250000e-03, v16  }
0x32a: {  	v35 =	vmul.f32 v28, v28;
	v28 =	vmul.f32 v28, v12;
	v13 =	vsub.f32 $0.0e+00, v13  }
0x32b: {  	v40 =	vperm.xlane v14, v1;
	v46 =	vperm.xlane v14, v2;
	v47 =	vsub.f32 v51, v47  }
0x32c: {  	v52 =	vld [tilespmem:s29+$0x20];
	v28 =	vsub.f32 v30, v28;
	v30 =	vmul.f32 v27, v58;
	v13 =	vmul.f32 $1.442695020e+00, v13  }
0x32d: {  	v53 =	vld [tilespmem:s30+$0x20];
	v35 =	vsub.f32 v15, v35;
	v40 =	vmul.f32 $3.906250000e-03, v40;
	v46 =	vmul.f32 $3.906250000e-03, v46  }
0x32e: {  	v59 =	vadd.f32 $9.999999740e-06, v47;
	v47 =	vshll.u32 v19, v3;
	(erf) = vpow2.f32 v13  }
0x32f: {  	v35 =	vadd.f32 $9.999999740e-06, v35;
	v19 =	vadd.s32 v6, v60;
	v60 =	vshra.s32 v36, $0x1  }
0x330: {  	v54 =	vmul.f32 v40, v40;
	v62 =	vshra.s32 v59, $0x1;
	v63 =	vmul.f32 $5.000000000e-01, v59  }
0x331: {  	v36 =	vmul.f32 $5.000000000e-01, v36;
	v30 =	vmul.f32 v27, v30;
	v37 =	vsub.s32 $0x5F3759DF, v62  }
0x332: {  	v41 =	vsub.f32 v46, v54;
	v46 =	vadd.f32 v53, v52;
	v52 =	vmul.f32 v37, v63;
	v13 =	vpop (erf)  }
0x333: {  	v59 =	vmul.f32 v40, v12;
	v40 =	vsub.s32 $0x5F3759DF, v60;
	v30 =	vsub.f32 $1.500000000e+00, v30;
	v14 =	vpop (erf)  }
0x334: {  	v25 =	vsub.f32 v25, v43;
	v36 =	vmul.f32 v40, v36;
	v22 =	vmul.f32 v37, v52;
	v15 =	vpop (erf)  }
0x335: {  	v53 =	vshra.s32 v35, $0x1;
	v35 =	vmul.f32 $5.000000000e-01, v35;
	v27 =	vmul.f32 v27, v30;
	v16 =	vpop (erf)  }
0x336: {  	v43 =	vsub.s32 $0x5F3759DF, v53;
	v36 =	vmul.f32 v40, v36;
	v54 =	vsub.f32 $1.500000000e+00, v22;
	v17 =	vpop (erf)  }
0x337: {  	v31 =	vsub.f32 v33, v31;
	v53 =	vbroadcast v47, $0x0;
	v55 =	vmul.f32 v43, v35;
	v56 =	vpop (erf)  }
0x338: {  	v49 =	vadd.f32 $1.000000000e+00, v56;
	v56 =	vmul.f32 v37, v54;
	v37 =	vsub.s32 $0x5F3759DF, v57  }
0x339: {  	v41 =	vadd.f32 $9.999999740e-06, v41;
	v23 =	vmul.f32 v43, v55;
	v26 =	vmul.f32 v37, v26  }
0x33a: {  	v48 =	vmul.f32 v27, v34;
	v36 =	vsub.f32 $1.500000000e+00, v36;
	v22 =	vadd.s32 v7, v61  }
0x33b: {  	v61 =	vshra.s32 v32, $0x1;
	v23 =	vsub.f32 $1.500000000e+00, v23;
	v26 =	vmul.f32 v37, v26  }
0x33c: {  	v32 =	vmul.f32 $5.000000000e-01, v32;
	v62 =	vshra.s32 v41, $0x1;
	v41 =	vmul.f32 $5.000000000e-01, v41  }
0x33d: {  	s6 =	sadd.s32 $0x2, s1;
	v23 =	vmul.f32 v43, v23;
	v43 =	vsub.s32 $0x5F3759DF, v61;
	v26 =	vsub.f32 $1.500000000e+00, v26  }
0x33e: {  	v60 =	vmov s6;
	v40 =	vmul.f32 v40, v36;
	v32 =	vmul.f32 v43, v32  }
0x33f: {  	s0 =	sadd.s32 $0x7, s1;
	v23 =	vmul.f32 v23, v28;
	v26 =	vmul.f32 v37, v26;
	v37 =	vsub.s32 $0x5F3759DF, v62  }
0x340: {  	v63 =	vmov s0;
	v32 =	vmul.f32 v43, v32;
	v41 =	vmul.f32 v37, v41  }
0x341: {  	v12 =	vsub.f32 v24, v59;
	(erf) = vrcp.f32 v49;
	v49 =	vmul.f32 v40, v31  }
0x342: {  	v25 =	vmul.f32 v56, v25;
	v32 =	vsub.f32 $1.500000000e+00, v32;
	v41 =	vmul.f32 v37, v41  }
0x343: {  	v23 =	vadd.f32 v23, v11;
	(erf) = vrcp.f32 v44;
	v27 =	vadd.f32 v49, v11  }
0x344: {  	(erf) = vrcp.f32 v45;
	v32 =	vmul.f32 v43, v32;
	v41 =	vsub.f32 $1.500000000e+00, v41  }
0x345: {  	v43 =	vsub.f32 v46, v38;
	v46 =	vadd.f32 v25, v11;
	v26 =	vmul.f32 v26, v29  }
0x346: {  	v23 =	vsub.f32 $0.0e+00, v23;
	v25 =	vadd.f32 v48, v11;
	v42 =	vmul.f32 v37, v41  }
0x347: {  	v51 =	vmul.f32 v32, v43;
	v24 =	vsub.f32 $0.0e+00, v46;
	v26 =	vadd.f32 v26, v11  }
0x348: {  	v23 =	vmul.f32 $1.442695020e+00, v23;
	v27 =	vsub.f32 $0.0e+00, v27;
	v12 =	vmul.f32 v42, v12  }
0x349: {  	v28 =	vadd.f32 v51, v11;
	v24 =	vmul.f32 $1.442695020e+00, v24;
	v52 =	vsub.f32 $0.0e+00, v26  }
0x34a: {  	v25 =	vsub.f32 $0.0e+00, v25;
	v55 =	vmul.f32 $1.442695020e+00, v27;
	v11 =	vadd.f32 v12, v11  }
0x34b: {  	(erf) = vpow2.f32 v24;
	v54 =	vsub.f32 $0.0e+00, v28;
	v12 =	vmul.f32 $1.442695020e+00, v52  }
0x34c: {  	v25 =	vmul.f32 $1.442695020e+00, v25;
	(erf) = vpow2.f32 v23;
	v11 =	vsub.f32 $0.0e+00, v11  }
0x34d: {  	v39 =	vshrl.u32 v63, $0x3;
	v24 =	vmul.f32 $1.442695020e+00, v54;
	(erf) = vpow2.f32 v12  }
0x34e: {  	s12 =	sadd.s32 $0x1, s1;
	v39 =	vshll.u32 v39, v3;
	(erf) = vpow2.f32 v25;
	v11 =	vmul.f32 $1.442695020e+00, v11  }
0x34f: {  	s14 =	sadd.s32 $0x3, s1;
	v59 =	vmov s12;
	v39 =	vbroadcast v39, $0x0;
	(erf) = vpow2.f32 v55  }
0x350: {  	s31 =	sadd.s32 $0x6, s1;
	v61 =	vmov s14;
	v57 =	vadd.s32 v8, v50;
	(erf) = vpow2.f32 v24  }
0x351: {  	s29 =	sadd.s32 $0x4, s1;
	v56 =	vmov s1;
	v40 =	vmov s31;
	v58 =	vpop (erf);
	(erf) = vpow2.f32 v11  }
0x352: {  	v33 =	vshrl.u32 v40, $0x3;
	v62 =	vmov s29;
	v27 =	vshrl.u32 v59, $0x3;
	v11 =	vpop (erf)  }
0x353: {  	v30 =	vshrl.u32 v62, $0x3;
	v29 =	vshrl.u32 v61, $0x3;
	v27 =	vshll.u32 v27, v3;
	v63 =	vpop (erf)  }
0x354: {  	v49 =	vshll.u32 v30, v3;
	v46 =	vshll.u32 v29, v3;
	v28 =	vshrl.u32 v60, $0x3;
	v41 =	vpop (erf)  }
0x355: {  	[tilespmem:v21+s21+$0x0] =	vst.idx.msk $0xffff, v13;
	v13 =	vbroadcast v46, $0x0;
	v28 =	vshll.u32 v28, v3;
	v34 =	vadd.f32 $1.000000000e+00, v41;
	v42 =	vpop (erf)  }
0x356: {  	v26 =	vadd.s32 v9, v53;
	v54 =	vbroadcast v28, $0x0;
	v35 =	vadd.f32 $1.000000000e+00, v42;
	v43 =	vpop (erf)  }
0x357: {  	v12 =	vadd.s32 v10, v39;
	v36 =	vadd.f32 $1.000000000e+00, v43;
	(erf) = vrcp.f32 v34;
	v44 =	vpop (erf)  }
0x358: {  	v25 =	vshrl.u32 v56, $0x3;
	v34 =	vadd.f32 $1.000000000e+00, v44;
	(erf) = vrcp.f32 v35;
	v45 =	vpop (erf)  }
0x359: {  	v25 =	vshll.u32 v25, v3;
	v47 =	vadd.f32 $1.000000000e+00, v45;
	(erf) = vrcp.f32 v36;
	v48 =	vpop (erf)  }
0x35a: {  	[tilespmem:v20+s21+$0x0] =	vst.idx.msk $0xffff, v14;
	v25 =	vbroadcast v25, $0x0;
	v50 =	vadd.f32 $1.000000000e+00, v48;
	(erf) = vrcp.f32 v34;
	v51 =	vpop (erf)  }
0x35b: {  	s30 =	sadd.s32 $0x5, s1;
	[tilespmem:v18+s21+$0x0] =	vst.idx.msk $0xffff, v15;
	v52 =	vbroadcast v27, $0x0;
	v53 =	vadd.f32 $1.000000000e+00, v51;
	(erf) = vrcp.f32 v47  }
0x35c: {  	[tilespmem:v19+s21+$0x0] =	vst.idx.msk $0xffff, v16;
	v39 =	vmov s30;
	v55 =	vadd.s32 v0, v25;
	(erf) = vrcp.f32 v50  }
0x35d: {  	[tilespmem:v22+s21+$0x0] =	vst.idx.msk $0xffff, v17;
	v15 =	vadd.s32 v4, v52;
	v32 =	vshrl.u32 v39, $0x3;
	(erf) = vrcp.f32 v53  }
0x35e: {  	v14 =	vbroadcast v49, $0x0;
	v16 =	vadd.s32 v5, v54;
	v56 =	vshll.u32 v32, v3;
	[tilespmem:v12+s21+$0x0] =	vst.idx.msk $0xffff, v58  }
0x35f: {  	v13 =	vadd.s32 v6, v13;
	v12 =	vbroadcast v56, $0x0;
	[tilespmem:v57+s21+$0x0] =	vst.idx.msk $0xffff, v11;
	v11 =	vshll.u32 v33, v3  }
0x360: {  	v14 =	vadd.s32 v7, v14;
	[tilespmem:v26+s21+$0x0] =	vst.idx.msk $0xffff, v63;
	v11 =	vbroadcast v11, $0x0;
	v57 =	vpop (erf)  }
0x361: {  	v12 =	vadd.s32 v8, v12;
	[tilespmem:v55+s21+$0x0] =	vst.idx.msk $0xffff, v57;
	v58 =	vpop (erf)  }
0x362: {  	v11 =	vadd.s32 v9, v11;
	[tilespmem:v15+s21+$0x0] =	vst.idx.msk $0xffff, v58;
	v59 =	vpop (erf)  }
0x363: {  	[tilespmem:v16+s21+$0x0] =	vst.idx.msk $0xffff, v59;
	v60 =	vpop (erf)  }
0x364: {  	[tilespmem:v13+s21+$0x0] =	vst.idx.msk $0xffff, v60;
	v61 =	vpop (erf)  }
0x365: {  	[tilespmem:v14+s21+$0x0] =	vst.idx.msk $0xffff, v61;
	v62 =	vpop (erf)  }
0x366: {  	[tilespmem:v12+s21+$0x0] =	vst.idx.msk $0xffff, v62;
	v63 =	vpop (erf)  }
0x367: {  	s28 =	sadd.s32 $0x1, s28;
	[tilespmem:v11+s21+$0x0] =	vst.idx.msk $0xffff, v63  }
0x368: {  	[hbm4b:s10+s15] =	stream.strided.scatter [tilespmem:s21], [sflag:$0x3], $0x500, s22, s15, $0x38;
	[tilespmem:$0x8040] =	vst v63  }
0x369: {  	p0 =	sne.s32 s28, s11;
	_ =	swait.ge [sflag:s25], $0x500  }
.Ltmp4:
0x36a: {  	[sflag:s25] =	ssyncset.done $0x0;
	(pc) =	sbr.rel @p0 .LBB2_1-.Ltmp4, $4  }
0x36b: {  	[sflag:s25] =	ssyncadd.s32 $0xFFFFFB00  }
0x36c: {  	_ =	swait.ge [sflag:s26], $0x500  }
0x36d: {  	[sflag:s26] =	ssyncset.done $0x0  }
0x36e: {  	[sflag:s26] =	ssyncadd.s32 $0xFFFFFB00  }
0x36f: {  	_ =	sfence.sel $0x180000  }
0x370: {  	[bflag:$0x0] =	sbarrier.arrive $0xFFFF  }
0x371: {  	_ =	strace $0x90000047  }
0x372: {  	s0 =	stileid.u32;
	[bflag:$0x2] =	sbarrier.arrive $0xFFFF  }
0x373: {  	p0 =	sne.s32 s0, $0x0;
	s0 =	rddreg [dreg:$0x2]  }
0x374: {  	s0 =	sadd.s32 @!p0 $0x100000, s0  }
0x375: {  	[sflag:s0] =	ssyncadd.tile.s32 @!p0 $0x1;
	_ =	shalt  }
.Lfunc_end2:
_tile_overlayer_lowered:
.L_overlay_start_2:
0x376: {  	(tag) =	ssettag $0x2  }
0x377: {  	s0 =	rddreg [dreg:$0x0];
	s2 =	stileid.u32  }
0x378: {  	s1 =	rddreg [dreg:$0x1];
	p0 =	sne.s32 s2, $0x0  }
0x379: {  	s3 =	rddreg [dreg:$0x2];
	[bflag:$0x3] =	sbarrier.arrive $0xFFFF;
	s2 =	simm.s32 @!p0 $0x1C05  }
0x37a: {  	[timem:s3], [sflag:s2] =	dma.local @!p0 [hbm:s0], s1  }
0x37b: {  	s0 =	simm.s32 @!p0 $0x5  }
0x37c: {  	_ =	swait.ge @!p0 [sflag:s0], s1  }
0x37d: {  	s1 =	ssub.s32 @!p0 $0x0, s1;
	[sflag:s0] =	ssyncset.done @!p0 $0x0  }
0x37e: {  	[sflag:s0] =	ssyncadd.s32 @!p0 s1  }
0x37f: {  	[bflag:$0x3] =	sbarrier.arrive $0xFFFF  }
0x380: {  	_ =	shalt  }

</sc_bundles>
